<compile_context>
chip_gen: v7x
topology: tpu7x:2x2x1
jax: 0.10.2.dev20260603
libtpu: 0.0.44.dev20260713+nightly
codegen_flags: <defaults>
</compile_context>

<pallas_src>
import dataclasses
import functools

import jax
import jax.numpy as jnp
from jax import lax
from jax.experimental import pallas as pl
from jax.experimental.pallas import tpu as pltpu
from jax.experimental.pallas import tpu_sc as plsc

ROWS = 50000
FEAT = 256
HALF = FEAT // 2
NSEG = 1024
CHUNK = 96
NC, NS, LANES = 2, 16, 16
NW = NC * NS
TROWS = NSEG // NS

TCCHUNK = 2000
RTC = 26000
NTCCHUNK = RTC // TCCHUNK
NSC = (ROWS - RTC) // CHUNK
assert NSC * CHUNK == ROWS - RTC
CSLICE = next(s for s in range(RTC // NW // 16 * 16, RTC, 16)
              if 0 < RTC - (NW - 1) * s <= s and (RTC - (NW - 1) * s) % 16 == 0)
CSLICE_LAST = RTC - (NW - 1) * CSLICE

_mesh = plsc.VectorSubcoreMesh(core_axis_name="c", subcore_axis_name="s")

_sc_params = pltpu.CompilerParams()
if "needs_layout_passes" in pltpu.CompilerParams.__dataclass_fields__:
    _sc_params = dataclasses.replace(_sc_params, needs_layout_passes=False)


@functools.partial(
    pl.kernel,
    mesh=_mesh,
    out_type=[
        jax.ShapeDtypeStruct((NC, NSEG, FEAT), jnp.float32),
        jax.ShapeDtypeStruct((NW, NSEG), jnp.float32),
    ],
    compiler_params=_sc_params,
    scratch_types=[
        pltpu.VMEM((2, CHUNK, HALF), jnp.float32),
        pltpu.VMEM((2, CHUNK, HALF), jnp.float32),
        pltpu.VMEM((CHUNK,), jnp.int32),
        pltpu.VMEM((CHUNK,), jnp.int32),
        pltpu.VMEM((NSEG,), jnp.float32),
        pltpu.VMEM((CSLICE,), jnp.int32),
        pltpu.VMEM((TROWS, HALF), jnp.float32),
        pltpu.VMEM_SHARED((NSEG, HALF), jnp.float32),
        pltpu.VMEM_SHARED((NSEG, HALF), jnp.float32),
        pltpu.SemaphoreType.DMA,
        pltpu.SemaphoreType.DMA,
    ],
)
def _sc_partial(x_hbm, b_hbm, sums_hbm, cnts_hbm, xl, xr, bbuf0, bbuf1, hist,
                cbuf, zstage, accl, accr, sem0, sem1):
    c = lax.axis_index("c")
    s = lax.axis_index("s")
    w = c * NS + s
    bbufs = (bbuf0, bbuf1)
    sems = (sem0, sem1)

    one = jnp.ones((LANES,), jnp.float32)
    zero = jnp.zeros((LANES,), jnp.float32)
    row = s * TROWS

    k0 = w * NSC // NW
    k1 = (w + 1) * NSC // NW
    cntc = k1 - k0

    def start(k, slot):
        r = RTC + k * CHUNK
        sem = sems[slot]
        cps = (
            pltpu.make_async_copy(
                x_hbm.at[pl.ds(r, CHUNK), pl.ds(0, HALF)], xl.at[slot], sem),
            pltpu.make_async_copy(
                x_hbm.at[pl.ds(r, CHUNK), pl.ds(HALF, HALF)], xr.at[slot], sem),
            pltpu.make_async_copy(b_hbm.at[pl.ds(r, CHUNK)], bbufs[slot], sem),
        )
        for cp in cps:
            cp.start()
        return cps

    def wait(cps):
        for cp in cps:
            cp.wait()

    def accumulate(slot):
        pltpu.sync_copy(xl.at[slot], accl.at[bbufs[slot]], add=True)
        pltpu.sync_copy(xr.at[slot], accr.at[bbufs[slot]], add=True)

        @pl.loop(0, CHUNK // LANES)
        def _(i):
            plsc.addupdate_scatter(
                hist, [bbufs[slot][pl.ds(i * LANES, LANES)]], one)

    cp0 = start(k0, 0)

    @pl.loop(0, NSEG // LANES)
    def _(i):
        hist[pl.ds(i * LANES, LANES)] = zero

    @pl.loop(0, TROWS)
    def _(i):
        @pl.loop(0, HALF // LANES)
        def _(j):
            zstage[i, pl.ds(j * LANES, LANES)] = zero

    cb = w * CSLICE

    @pl.when(w < NW - 1)
    def _():
        pltpu.sync_copy(b_hbm.at[pl.ds(cb, CSLICE)], cbuf)

    @pl.when(w == NW - 1)
    def _():
        pltpu.sync_copy(b_hbm.at[pl.ds(cb, CSLICE_LAST)],
                        cbuf.at[pl.ds(0, CSLICE_LAST)])

    nit = jnp.where(w == NW - 1, CSLICE_LAST // LANES, CSLICE // LANES)

    @pl.loop(0, nit)
    def _(i):
        plsc.addupdate_scatter(hist, [cbuf[pl.ds(i * LANES, LANES)]], one)

    pltpu.sync_copy(zstage, accl.at[pl.ds(row, TROWS)])
    pltpu.sync_copy(zstage, accr.at[pl.ds(row, TROWS)])
    plsc.subcore_barrier()

    npairs = cntc // 2

    @pl.loop(0, npairs)
    def _(p):
        k = k0 + 2 * p
        nxt = start(k + 1, 1)
        wait(cp0)
        accumulate(0)

        @pl.when(k + 2 < k1)
        def _():
            start(k + 2, 0)

        wait(nxt)
        accumulate(1)

    @pl.when(k0 + 2 * npairs < k1)
    def _():
        wait(cp0)
        accumulate(0)

    pltpu.sync_copy(hist, cnts_hbm.at[w])
    plsc.subcore_barrier()
    pltpu.sync_copy(accl.at[pl.ds(row, TROWS)],
                    sums_hbm.at[c, pl.ds(row, TROWS), pl.ds(0, HALF)])
    pltpu.sync_copy(accr.at[pl.ds(row, TROWS)],
                    sums_hbm.at[c, pl.ds(row, TROWS), pl.ds(HALF, HALF)])


def _sums_body(b_ref, x_ref, o_ref):
    i = pl.program_id(0)
    bvec = b_ref[0, 0, :]
    gids = jax.lax.broadcasted_iota(jnp.int32, (NSEG, TCCHUNK), 0)
    onehot = (gids == bvec[None, :]).astype(jnp.bfloat16)
    psum = jax.lax.dot(onehot, x_ref[...].astype(jnp.bfloat16),
                       preferred_element_type=jnp.float32)

    @pl.when(i == 0)
    def _():
        o_ref[...] = psum

    @pl.when(i > 0)
    def _():
        o_ref[...] += psum


def _tc_sums(x, b3):
    return pl.pallas_call(
        _sums_body,
        grid=(NTCCHUNK,),
        in_specs=[
            pl.BlockSpec((1, 1, TCCHUNK), lambda i: (i, 0, 0)),
            pl.BlockSpec((TCCHUNK, FEAT), lambda i: (i, 0)),
        ],
        out_specs=pl.BlockSpec((NSEG, FEAT), lambda i: (0, 0)),
        out_shape=jax.ShapeDtypeStruct((NSEG, FEAT), jnp.float32),
    )(b3, x)


def _combine_body(ts_ref, sp_ref, cp_ref, o_ref):
    ssum = ts_ref[...] + sp_ref[0] + sp_ref[1]
    csum = jnp.sum(cp_ref[...], axis=0).reshape(NSEG, 1)
    o_ref[...] = ssum / jnp.maximum(csum, 1.0)


def kernel(x, batch):
    b = batch.astype(jnp.int32)
    b3 = b.reshape(ROWS // TCCHUNK, 1, TCCHUNK)
    tc_sums = _tc_sums(x, b3)
    sums, cnts = _sc_partial(x, b)
    return pl.pallas_call(
        _combine_body,
        out_shape=jax.ShapeDtypeStruct((NSEG, FEAT), jnp.float32),
    )(tc_sums, sums, cnts)

# --- scband reference (transcript-rebuilt; emitter-appended) ---
"""Pipeline reference for scband-chembl-global-mean-pool-77025943487100 (READ-ONLY COPY).

The authoritative reference and input builder live on the scoring server;
editing this copy changes nothing except your own understanding.
"""

import jax, jax.numpy as jnp
import numpy as np

NUM_GRAPHS = 1024

def setup_inputs(seed: int = 0) -> dict:
    key = jax.random.key(seed)
    k1, k2 = jax.random.split(key)
    x = jax.random.normal(k1, (50000, 256), dtype=jnp.float32)
    batch = jnp.sort(jax.random.randint(k2, (50000,), 0, NUM_GRAPHS, dtype=jnp.int64))
    return {"x": x, "batch": batch}

def reference(x, batch):
    # global_mean_pool: per-graph mean of node features
    sums = jax.ops.segment_sum(x, batch, num_segments=NUM_GRAPHS)
    counts = jax.ops.segment_sum(jnp.ones((x.shape[0],), dtype=x.dtype), batch, num_segments=NUM_GRAPHS)
    counts = jnp.clip(counts, 1.0)
    out = sums / counts[:, None]
    return out

if __name__ == "__main__":
    import jax
    _d = setup_inputs()
    print(jax.jit(kernel)(*tuple(_d.values())))

</pallas_src>

<mosaic_0001>
#map = affine_map<(d0, d1) -> (0, 0)>
#map1 = affine_map<(d0, d1) -> (0)>
#map2 = affine_map<(d0, d1) -> (0, 0, 0)>
module attributes {stable_mosaic.version = 14 : i64} {
  func.func @_sc_partial(%arg0: i32, %arg1: i32, %arg2: memref<50000x256xf32, #tpu.memory_space<hbm>>, %arg3: memref<50000xi32, #tpu.memory_space<hbm>>, %arg4: memref<2x1024x256xf32, #tpu.memory_space<hbm>>, %arg5: memref<32x1024xf32, #tpu.memory_space<hbm>>, %arg6: memref<2x96x128xf32, #tpu.memory_space<vmem>>, %arg7: memref<2x96x128xf32, #tpu.memory_space<vmem>>, %arg8: memref<96xi32, #tpu.memory_space<vmem>>, %arg9: memref<96xi32, #tpu.memory_space<vmem>>, %arg10: memref<1024xf32, #tpu.memory_space<vmem>>, %arg11: memref<816xi32, #tpu.memory_space<vmem>>, %arg12: memref<64x128xf32, #tpu.memory_space<vmem>>, %arg13: memref<1024x128xf32, #tpu.memory_space<vmem_shared>>, %arg14: memref<1024x128xf32, #tpu.memory_space<vmem_shared>>, %arg15: memref<!tpu.dma_semaphore, #tpu.memory_space<semaphore_mem>>, %arg16: memref<!tpu.dma_semaphore, #tpu.memory_space<semaphore_mem>>) attributes {dimension_semantics = [#tpu.dimension_semantics<core_parallel>, #tpu.dimension_semantics<subcore_parallel>], iteration_bounds = array<i64: 2, 16>, scalar_prefetch = 0 : i64, scratch_operands = 11 : i64, tpu.core_type = #tpu.core_type<sc_vector_subcore>, window_params = [{transform_indices = #map}, {transform_indices = #map1}, {transform_indices = #map2}, {transform_indices = #map}]} {
    %mul3A = arith.constant 16 : i32
    %mul3A_0 = arith.muli %arg0, %mul3A : i32
    %add3A = arith.addi %mul3A_0, %arg1 : i32
    %broadcast_in_dim3A = arith.constant 1.000000e+00 : f32
    %broadcast_in_dim3A_1 = vector.broadcast %broadcast_in_dim3A : f32 to vector<16xf32>
    %broadcast_in_dim3A_2 = arith.constant 0.000000e+00 : f32
    %broadcast_in_dim3A_3 = vector.broadcast %broadcast_in_dim3A_2 : f32 to vector<16xf32>
    %mul3A_4 = arith.constant 64 : i32
    %mul3A_5 = arith.muli %arg1, %mul3A_4 : i32
    %mul3A_6 = arith.constant 250 : i32
    %mul3A_7 = arith.muli %add3A, %mul3A_6 : i32
    %jit3A = arith.constant 32 : i32
    %div3A = arith.divsi %mul3A_7, %jit3A : i32
    %sign3A = arith.constant 0 : i32
    %sign3A_8 = arith.cmpi sgt, %mul3A_7, %sign3A : i32
    %sign3A_9 = arith.extui %sign3A_8 : i1 to i32
    %sign3A_10 = arith.constant 0 : i32
    %sign3A_11 = arith.cmpi slt, %mul3A_7, %sign3A_10 : i32
    %sign3A_12 = arith.extui %sign3A_11 : i1 to i32
    %sign3A_13 = arith.subi %sign3A_9, %sign3A_12 : i32
    %sign3A_14 = arith.constant 0 : i32
    %sign3A_15 = arith.cmpi sgt, %jit3A, %sign3A_14 : i32
    %sign3A_16 = arith.extui %sign3A_15 : i1 to i32
    %sign3A_17 = arith.constant 0 : i32
    %sign3A_18 = arith.cmpi slt, %jit3A, %sign3A_17 : i32
    %sign3A_19 = arith.extui %sign3A_18 : i1 to i32
    %sign3A_20 = arith.subi %sign3A_16, %sign3A_19 : i32
    %ne3A = arith.cmpi ne, %sign3A_13, %sign3A_20 : i32
    %rem3A = arith.remsi %mul3A_7, %jit3A : i32
    %ne3A_21 = arith.constant 0 : i32
    %ne3A_22 = arith.cmpi ne, %rem3A, %ne3A_21 : i32
    %and3A = arith.andi %ne3A, %ne3A_22 : i1
    %sub3A = arith.constant 1 : i32
    %sub3A_23 = arith.subi %div3A, %sub3A : i32
    %select_n3A = arith.select %and3A, %sub3A_23, %div3A : i32
    %add3A_24 = arith.constant 1 : i32
    %add3A_25 = arith.addi %add3A, %add3A_24 : i32
    %mul3A_26 = arith.constant 250 : i32
    %mul3A_27 = arith.muli %add3A_25, %mul3A_26 : i32
    %jit3A_28 = arith.constant 32 : i32
    %div3A_29 = arith.divsi %mul3A_27, %jit3A_28 : i32
    %sign3A_30 = arith.constant 0 : i32
    %sign3A_31 = arith.cmpi sgt, %mul3A_27, %sign3A_30 : i32
    %sign3A_32 = arith.extui %sign3A_31 : i1 to i32
    %sign3A_33 = arith.constant 0 : i32
    %sign3A_34 = arith.cmpi slt, %mul3A_27, %sign3A_33 : i32
    %sign3A_35 = arith.extui %sign3A_34 : i1 to i32
    %sign3A_36 = arith.subi %sign3A_32, %sign3A_35 : i32
    %sign3A_37 = arith.constant 0 : i32
    %sign3A_38 = arith.cmpi sgt, %jit3A_28, %sign3A_37 : i32
    %sign3A_39 = arith.extui %sign3A_38 : i1 to i32
    %sign3A_40 = arith.constant 0 : i32
    %sign3A_41 = arith.cmpi slt, %jit3A_28, %sign3A_40 : i32
    %sign3A_42 = arith.extui %sign3A_41 : i1 to i32
    %sign3A_43 = arith.subi %sign3A_39, %sign3A_42 : i32
    %ne3A_44 = arith.cmpi ne, %sign3A_36, %sign3A_43 : i32
    %rem3A_45 = arith.remsi %mul3A_27, %jit3A_28 : i32
    %ne3A_46 = arith.constant 0 : i32
    %ne3A_47 = arith.cmpi ne, %rem3A_45, %ne3A_46 : i32
    %and3A_48 = arith.andi %ne3A_44, %ne3A_47 : i1
    %sub3A_49 = arith.constant 1 : i32
    %sub3A_50 = arith.subi %div3A_29, %sub3A_49 : i32
    %select_n3A_51 = arith.select %and3A_48, %sub3A_50, %div3A_29 : i32
    %sub3A_52 = arith.subi %select_n3A_51, %select_n3A : i32
    %mul3A_53 = arith.constant 96 : i32
    %mul3A_54 = arith.muli %select_n3A, %mul3A_53 : i32
    %add3A_55 = arith.constant 26000 : i32
    %add3A_56 = arith.addi %add3A_55, %mul3A_54 : i32
    %dma_start3A = arith.constant 0 : i32
    %dma_start3A_57 = arith.constant 0 : i32
    %dma_start3A_58 = arith.constant 0 : i32
    %dma_start3A_59 = tpu.memref_slice %arg6[%dma_start3A, %dma_start3A_57, %dma_start3A_58] : memref<2x96x128xf32, #tpu.memory_space<vmem>> -> memref<1x96x128xf32, #tpu.memory_space<vmem>>
    %dma_start3A_60 = tpu.memref_squeeze %dma_start3A_59 : memref<1x96x128xf32, #tpu.memory_space<vmem>> -> memref<96x128xf32, #tpu.memory_space<vmem>>
    %dma_start3A_61 = arith.constant 0 : i32
    %dma_start3A_62 = tpu.memref_slice %arg2[%add3A_56, %dma_start3A_61] : memref<50000x256xf32, #tpu.memory_space<hbm>> -> memref<96x128xf32, #tpu.memory_space<hbm>>
    %dma_start3A_63 = arith.constant 0 : i32
    %dma_start3A_64 = arith.constant 0 : i32
    %dma_start3A_65 = tpu.memref_slice %arg6[%dma_start3A, %dma_start3A_63, %dma_start3A_64] : memref<2x96x128xf32, #tpu.memory_space<vmem>> -> memref<1x96x128xf32, #tpu.memory_space<vmem>>
    %dma_start3A_66 = tpu.memref_squeeze %dma_start3A_65 : memref<1x96x128xf32, #tpu.memory_space<vmem>> -> memref<96x128xf32, #tpu.memory_space<vmem>>
    %dma_start3A_67 = arith.constant 0 : i32
    %dma_start3A_68 = tpu.memref_slice %arg2[%add3A_56, %dma_start3A_67] : memref<50000x256xf32, #tpu.memory_space<hbm>> -> memref<96x128xf32, #tpu.memory_space<hbm>>
    tpu.enqueue_dma source(%dma_start3A_68 : memref<96x128xf32, #tpu.memory_space<hbm>>) target(%dma_start3A_66 : memref<96x128xf32, #tpu.memory_space<vmem>>) target_semaphore(%arg15 : memref<!tpu.dma_semaphore, #tpu.memory_space<semaphore_mem>>)
    %dma_start3A_69 = arith.constant 0 : i32
    %dma_start3A_70 = arith.constant 0 : i32
    %dma_start3A_71 = arith.constant 0 : i32
    %dma_start3A_72 = tpu.memref_slice %arg7[%dma_start3A_69, %dma_start3A_70, %dma_start3A_71] : memref<2x96x128xf32, #tpu.memory_space<vmem>> -> memref<1x96x128xf32, #tpu.memory_space<vmem>>
    %dma_start3A_73 = tpu.memref_squeeze %dma_start3A_72 : memref<1x96x128xf32, #tpu.memory_space<vmem>> -> memref<96x128xf32, #tpu.memory_space<vmem>>
    %dma_start3A_74 = arith.constant 128 : i32
    %dma_start3A_75 = tpu.memref_slice %arg2[%add3A_56, %dma_start3A_74] : memref<50000x256xf32, #tpu.memory_space<hbm>> -> memref<96x128xf32, #tpu.memory_space<hbm>>
    %dma_start3A_76 = arith.constant 0 : i32
    %dma_start3A_77 = arith.constant 0 : i32
    %dma_start3A_78 = tpu.memref_slice %arg7[%dma_start3A_69, %dma_start3A_76, %dma_start3A_77] : memref<2x96x128xf32, #tpu.memory_space<vmem>> -> memref<1x96x128xf32, #tpu.memory_space<vmem>>
    %dma_start3A_79 = tpu.memref_squeeze %dma_start3A_78 : memref<1x96x128xf32, #tpu.memory_space<vmem>> -> memref<96x128xf32, #tpu.memory_space<vmem>>
    %dma_start3A_80 = arith.constant 128 : i32
    %dma_start3A_81 = tpu.memref_slice %arg2[%add3A_56, %dma_start3A_80] : memref<50000x256xf32, #tpu.memory_space<hbm>> -> memref<96x128xf32, #tpu.memory_space<hbm>>
    tpu.enqueue_dma source(%dma_start3A_81 : memref<96x128xf32, #tpu.memory_space<hbm>>) target(%dma_start3A_79 : memref<96x128xf32, #tpu.memory_space<vmem>>) target_semaphore(%arg15 : memref<!tpu.dma_semaphore, #tpu.memory_space<semaphore_mem>>)
    %dma_start3A_82 = tpu.memref_slice %arg3[%add3A_56] : memref<50000xi32, #tpu.memory_space<hbm>> -> memref<96xi32, #tpu.memory_space<hbm>>
    %dma_start3A_83 = tpu.memref_slice %arg3[%add3A_56] : memref<50000xi32, #tpu.memory_space<hbm>> -> memref<96xi32, #tpu.memory_space<hbm>>
    tpu.enqueue_dma source(%dma_start3A_83 : memref<96xi32, #tpu.memory_space<hbm>>) target(%arg8 : memref<96xi32, #tpu.memory_space<vmem>>) target_semaphore(%arg15 : memref<!tpu.dma_semaphore, #tpu.memory_space<semaphore_mem>>)
    %scan3A = arith.constant 0 : i32
    %scan3A_84 = arith.constant 64 : i32
    %scan3A_85 = arith.addi %scan3A, %scan3A_84 : i32
    %scan3A_86 = arith.constant 1 : i32
    scf.for %scan3A_179 = %scan3A to %scan3A_85 step %scan3A_86  : i32 {
      %mul3A_180 = arith.constant 1 : i32
      %mul3A_181 = arith.muli %scan3A_179, %mul3A_180 : i32
      %add3A_182 = arith.constant 0 : i32
      %add3A_183 = arith.addi %add3A_182, %mul3A_181 : i32
      %mul3A_184 = arith.constant 16 : i32
      %mul3A_185 = arith.muli %add3A_183, %mul3A_184 : i32
      %swap3A = arith.index_cast %mul3A_185 : i32 to index
      %swap3A_186 = tpu.vector_load %arg10[%swap3A] {strides = array<i32>} : memref<1024xf32, #tpu.memory_space<vmem>>, vector<16xf32>,
      tpu.vector_store %arg10[%swap3A], %broadcast_in_dim3A_3 {strides = array<i32>} : memref<1024xf32, #tpu.memory_space<vmem>>, vector<16xf32>,
    }
    %scan3A_87 = arith.constant 64 : i32
    %scan3A_88 = arith.constant 0 : i32
    %scan3A_89 = arith.constant 64 : i32
    %scan3A_90 = arith.addi %scan3A_88, %scan3A_89 : i32
    %scan3A_91 = arith.constant 1 : i32
    scf.for %scan3A_179 = %scan3A_88 to %scan3A_90 step %scan3A_91  : i32 {
      %mul3A_180 = arith.constant 1 : i32
      %mul3A_181 = arith.muli %scan3A_179, %mul3A_180 : i32
      %add3A_182 = arith.constant 0 : i32
      %add3A_183 = arith.addi %add3A_182, %mul3A_181 : i32
      %scan3A_184 = arith.constant 0 : i32
      %scan3A_185 = arith.constant 8 : i32
      %scan3A_186 = arith.addi %scan3A_184, %scan3A_185 : i32
      %scan3A_187 = arith.constant 1 : i32
      scf.for %scan3A_189 = %scan3A_184 to %scan3A_186 step %scan3A_187  : i32 {
        %mul3A_190 = arith.constant 1 : i32
        %mul3A_191 = arith.muli %scan3A_189, %mul3A_190 : i32
        %add3A_192 = arith.constant 0 : i32
        %add3A_193 = arith.addi %add3A_192, %mul3A_191 : i32
        %mul3A_194 = arith.constant 16 : i32
        %mul3A_195 = arith.muli %add3A_193, %mul3A_194 : i32
        %swap3A = arith.index_cast %add3A_183 : i32 to index
        %swap3A_196 = arith.index_cast %mul3A_195 : i32 to index
        %swap3A_197 = tpu.vector_load %arg12[%swap3A, %swap3A_196] {strides = array<i32>} : memref<64x128xf32, #tpu.memory_space<vmem>>, vector<16xf32>,
        tpu.vector_store %arg12[%swap3A, %swap3A_196], %broadcast_in_dim3A_3 {strides = array<i32>} : memref<64x128xf32, #tpu.memory_space<vmem>>, vector<16xf32>,
      }
      %scan3A_188 = arith.constant 8 : i32
    }
    %scan3A_92 = arith.constant 64 : i32
    %mul3A_93 = arith.constant 816 : i32
    %mul3A_94 = arith.muli %add3A, %mul3A_93 : i32
    %lt3A = arith.constant 31 : i32
    %lt3A_95 = arith.cmpi slt, %add3A, %lt3A : i32
    %convert_element_type3A = arith.extui %lt3A_95 : i1 to i32
    %cond3A = arith.constant 0 : i32
    %cond3A_96 = arith.cmpi ne, %convert_element_type3A, %cond3A : i32
    scf.if %cond3A_96 {
      "tpu.region"() ({
        %run_scoped3A = tpu.sem_alloc : memref<!tpu.dma_semaphore, #tpu.memory_space<semaphore_mem>>
        %dma_start3A_179 = tpu.memref_slice %arg3[%mul3A_94] : memref<50000xi32, #tpu.memory_space<hbm>> -> memref<816xi32, #tpu.memory_space<hbm>>
        %dma_start3A_180 = tpu.memref_slice %arg3[%mul3A_94] : memref<50000xi32, #tpu.memory_space<hbm>> -> memref<816xi32, #tpu.memory_space<hbm>>
        tpu.enqueue_dma source(%dma_start3A_180 : memref<816xi32, #tpu.memory_space<hbm>>) target(%arg11 : memref<816xi32, #tpu.memory_space<vmem>>) target_semaphore(%run_scoped3A : memref<!tpu.dma_semaphore, #tpu.memory_space<semaphore_mem>>)
        %dma_wait3A = tpu.memref_slice %arg3[%mul3A_94] : memref<50000xi32, #tpu.memory_space<hbm>> -> memref<816xi32, #tpu.memory_space<hbm>>
        %dma_wait3A_181 = tpu.memref_slice %arg3[%mul3A_94] : memref<50000xi32, #tpu.memory_space<hbm>> -> memref<816xi32, #tpu.memory_space<hbm>>
        tpu.wait_dma2 semaphore(%run_scoped3A : memref<!tpu.dma_semaphore, #tpu.memory_space<semaphore_mem>>) src(%dma_wait3A_181 : memref<816xi32, #tpu.memory_space<hbm>>) dst(%arg11 : memref<816xi32, #tpu.memory_space<vmem>>)
        tpu.yield
      }) : () -> ()
    } else {
    }
    %eq3A = arith.constant 31 : i32
    %eq3A_97 = arith.cmpi eq, %add3A, %eq3A : i32
    %convert_element_type3A_98 = arith.extui %eq3A_97 : i1 to i32
    %cond3A_99 = arith.constant 0 : i32
    %cond3A_100 = arith.cmpi ne, %convert_element_type3A_98, %cond3A_99 : i32
    scf.if %cond3A_100 {
      "tpu.region"() ({
        %run_scoped3A = tpu.sem_alloc : memref<!tpu.dma_semaphore, #tpu.memory_space<semaphore_mem>>
        %dma_start3A_179 = arith.constant 0 : i32
        %dma_start3A_180 = tpu.memref_slice %arg11[%dma_start3A_179] : memref<816xi32, #tpu.memory_space<vmem>> -> memref<704xi32, #tpu.memory_space<vmem>>
        %dma_start3A_181 = tpu.memref_slice %arg3[%mul3A_94] : memref<50000xi32, #tpu.memory_space<hbm>> -> memref<704xi32, #tpu.memory_space<hbm>>
        %dma_start3A_182 = arith.constant 0 : i32
        %dma_start3A_183 = tpu.memref_slice %arg11[%dma_start3A_182] : memref<816xi32, #tpu.memory_space<vmem>> -> memref<704xi32, #tpu.memory_space<vmem>>
        %dma_start3A_184 = tpu.memref_slice %arg3[%mul3A_94] : memref<50000xi32, #tpu.memory_space<hbm>> -> memref<704xi32, #tpu.memory_space<hbm>>
        tpu.enqueue_dma source(%dma_start3A_184 : memref<704xi32, #tpu.memory_space<hbm>>) target(%dma_start3A_183 : memref<704xi32, #tpu.memory_space<vmem>>) target_semaphore(%run_scoped3A : memref<!tpu.dma_semaphore, #tpu.memory_space<semaphore_mem>>)
        %dma_wait3A = arith.constant 0 : i32
        %dma_wait3A_185 = tpu.memref_slice %arg11[%dma_wait3A] : memref<816xi32, #tpu.memory_space<vmem>> -> memref<704xi32, #tpu.memory_space<vmem>>
        %dma_wait3A_186 = tpu.memref_slice %arg3[%mul3A_94] : memref<50000xi32, #tpu.memory_space<hbm>> -> memref<704xi32, #tpu.memory_space<hbm>>
        %dma_wait3A_187 = arith.constant 0 : i32
        %dma_wait3A_188 = tpu.memref_slice %arg11[%dma_wait3A_187] : memref<816xi32, #tpu.memory_space<vmem>> -> memref<704xi32, #tpu.memory_space<vmem>>
        %dma_wait3A_189 = tpu.memref_slice %arg3[%mul3A_94] : memref<50000xi32, #tpu.memory_space<hbm>> -> memref<704xi32, #tpu.memory_space<hbm>>
        tpu.wait_dma2 semaphore(%run_scoped3A : memref<!tpu.dma_semaphore, #tpu.memory_space<semaphore_mem>>) src(%dma_wait3A_189 : memref<704xi32, #tpu.memory_space<hbm>>) dst(%dma_wait3A_188 : memref<704xi32, #tpu.memory_space<vmem>>)
        tpu.yield
      }) : () -> ()
    } else {
    }
    %eq3A_101 = arith.constant 31 : i32
    %eq3A_102 = arith.cmpi eq, %add3A, %eq3A_101 : i32
    %jit3A_103 = arith.constant 44 : i32
    %jit3A_104 = arith.constant 51 : i32
    %select_n3A_105 = arith.select %eq3A_102, %jit3A_103, %jit3A_104 : i32
    %sub3A_106 = arith.constant 0 : i32
    %sub3A_107 = arith.subi %select_n3A_105, %sub3A_106 : i32
    %sub3A_108 = arith.constant 1 : i32
    %sub3A_109 = arith.constant 1 : i32
    %sub3A_110 = arith.subi %sub3A_108, %sub3A_109 : i32
    %add3A_111 = arith.addi %sub3A_107, %sub3A_110 : i32
    %div3A_112 = arith.constant 1 : i32
    %div3A_113 = arith.divsi %add3A_111, %div3A_112 : i32
    %while3A = arith.constant 1 : i32
    %while3A_114 = arith.constant 0 : i32
    %while3A_115 = arith.constant 0 : i32
    %while3A_116 = arith.subi %div3A_113, %while3A_115 : i32
    %while3A_117 = arith.addi %while3A_115, %while3A_116 : i32
    %while3A_118 = arith.constant 1 : i32
    %while3A_119 = arith.divsi %while3A_116, %while3A_118 : i32
    %while3A_120 = arith.muli %while3A_119, %while3A_118 : i32
    %while3A_121 = arith.addi %while3A_115, %while3A_120 : i32
    %while3A_122 = arith.constant 1 : i32
    scf.for %while3A_179 = %while3A_115 to %while3A_121 step %while3A_122  : i32 {
      %mul3A_180 = arith.muli %while3A_179, %while3A : i32
      %add3A_181 = arith.addi %while3A_114, %mul3A_180 : i32
      %mul3A_182 = arith.constant 16 : i32
      %mul3A_183 = arith.muli %add3A_181, %mul3A_182 : i32
      %get3A = arith.index_cast %mul3A_183 : i32 to index
      %get3A_184 = tpu.vector_load %arg11[%get3A] {strides = array<i32>} : memref<816xi32, #tpu.memory_space<vmem>>, vector<16xi32>,
      tpu.vector_store_idx %arg10[%get3A_184], %broadcast_in_dim3A_1 {add = true} : memref<1024xf32, #tpu.memory_space<vmem>>[vector<16xi32>], vector<16xf32>,
    }
    %while3A_123 = arith.constant 1 : i32
    scf.for %while3A_179 = %while3A_121 to %while3A_117 step %while3A_123  : i32 {
      %mul3A_180 = arith.muli %while3A_179, %while3A : i32
      %add3A_181 = arith.addi %while3A_114, %mul3A_180 : i32
      %mul3A_182 = arith.constant 16 : i32
      %mul3A_183 = arith.muli %add3A_181, %mul3A_182 : i32
      %get3A = arith.index_cast %mul3A_183 : i32 to index
      %get3A_184 = tpu.vector_load %arg11[%get3A] {strides = array<i32>} : memref<816xi32, #tpu.memory_space<vmem>>, vector<16xi32>,
      tpu.vector_store_idx %arg10[%get3A_184], %broadcast_in_dim3A_1 {add = true} : memref<1024xf32, #tpu.memory_space<vmem>>[vector<16xi32>], vector<16xf32>,
    }
    "tpu.region"() ({
      %run_scoped3A = tpu.sem_alloc : memref<!tpu.dma_semaphore, #tpu.memory_space<semaphore_mem>>
      %dma_start3A_179 = arith.constant 0 : i32
      %dma_start3A_180 = tpu.memref_slice %arg13[%mul3A_5, %dma_start3A_179] : memref<1024x128xf32, #tpu.memory_space<vmem_shared>> -> memref<64x128xf32, #tpu.memory_space<vmem_shared>>
      %dma_start3A_181 = arith.constant 0 : i32
      %dma_start3A_182 = tpu.memref_slice %arg13[%mul3A_5, %dma_start3A_181] : memref<1024x128xf32, #tpu.memory_space<vmem_shared>> -> memref<64x128xf32, #tpu.memory_space<vmem_shared>>
      tpu.enqueue_dma source(%arg12 : memref<64x128xf32, #tpu.memory_space<vmem>>) target(%dma_start3A_182 : memref<64x128xf32, #tpu.memory_space<vmem_shared>>) target_semaphore(%run_scoped3A : memref<!tpu.dma_semaphore, #tpu.memory_space<semaphore_mem>>)
      %dma_wait3A = arith.constant 0 : i32
      %dma_wait3A_183 = tpu.memref_slice %arg13[%mul3A_5, %dma_wait3A] : memref<1024x128xf32, #tpu.memory_space<vmem_shared>> -> memref<64x128xf32, #tpu.memory_space<vmem_shared>>
      %dma_wait3A_184 = arith.constant 0 : i32
      %dma_wait3A_185 = tpu.memref_slice %arg13[%mul3A_5, %dma_wait3A_184] : memref<1024x128xf32, #tpu.memory_space<vmem_shared>> -> memref<64x128xf32, #tpu.memory_space<vmem_shared>>
      tpu.wait_dma2 semaphore(%run_scoped3A : memref<!tpu.dma_semaphore, #tpu.memory_space<semaphore_mem>>) src(%arg12 : memref<64x128xf32, #tpu.memory_space<vmem>>) dst(%dma_wait3A_185 : memref<64x128xf32, #tpu.memory_space<vmem_shared>>)
      tpu.yield
    }) : () -> ()
    "tpu.region"() ({
      %run_scoped3A = tpu.sem_alloc : memref<!tpu.dma_semaphore, #tpu.memory_space<semaphore_mem>>
      %dma_start3A_179 = arith.constant 0 : i32
      %dma_start3A_180 = tpu.memref_slice %arg14[%mul3A_5, %dma_start3A_179] : memref<1024x128xf32, #tpu.memory_space<vmem_shared>> -> memref<64x128xf32, #tpu.memory_space<vmem_shared>>
      %dma_start3A_181 = arith.constant 0 : i32
      %dma_start3A_182 = tpu.memref_slice %arg14[%mul3A_5, %dma_start3A_181] : memref<1024x128xf32, #tpu.memory_space<vmem_shared>> -> memref<64x128xf32, #tpu.memory_space<vmem_shared>>
      tpu.enqueue_dma source(%arg12 : memref<64x128xf32, #tpu.memory_space<vmem>>) target(%dma_start3A_182 : memref<64x128xf32, #tpu.memory_space<vmem_shared>>) target_semaphore(%run_scoped3A : memref<!tpu.dma_semaphore, #tpu.memory_space<semaphore_mem>>)
      %dma_wait3A = arith.constant 0 : i32
      %dma_wait3A_183 = tpu.memref_slice %arg14[%mul3A_5, %dma_wait3A] : memref<1024x128xf32, #tpu.memory_space<vmem_shared>> -> memref<64x128xf32, #tpu.memory_space<vmem_shared>>
      %dma_wait3A_184 = arith.constant 0 : i32
      %dma_wait3A_185 = tpu.memref_slice %arg14[%mul3A_5, %dma_wait3A_184] : memref<1024x128xf32, #tpu.memory_space<vmem_shared>> -> memref<64x128xf32, #tpu.memory_space<vmem_shared>>
      tpu.wait_dma2 semaphore(%run_scoped3A : memref<!tpu.dma_semaphore, #tpu.memory_space<semaphore_mem>>) src(%arg12 : memref<64x128xf32, #tpu.memory_space<vmem>>) dst(%dma_wait3A_185 : memref<64x128xf32, #tpu.memory_space<vmem_shared>>)
      tpu.yield
    }) : () -> ()
    %barrier3A = arith.constant 0 : index
    tpu.barrier barrier_id(%barrier3A)
    %jit3A_124 = arith.constant 2 : i32
    %div3A_125 = arith.divsi %sub3A_52, %jit3A_124 : i32
    %sign3A_126 = arith.constant 0 : i32
    %sign3A_127 = arith.cmpi sgt, %sub3A_52, %sign3A_126 : i32
    %sign3A_128 = arith.extui %sign3A_127 : i1 to i32
    %sign3A_129 = arith.constant 0 : i32
    %sign3A_130 = arith.cmpi slt, %sub3A_52, %sign3A_129 : i32
    %sign3A_131 = arith.extui %sign3A_130 : i1 to i32
    %sign3A_132 = arith.subi %sign3A_128, %sign3A_131 : i32
    %sign3A_133 = arith.constant 0 : i32
    %sign3A_134 = arith.cmpi sgt, %jit3A_124, %sign3A_133 : i32
    %sign3A_135 = arith.extui %sign3A_134 : i1 to i32
    %sign3A_136 = arith.constant 0 : i32
    %sign3A_137 = arith.cmpi slt, %jit3A_124, %sign3A_136 : i32
    %sign3A_138 = arith.extui %sign3A_137 : i1 to i32
    %sign3A_139 = arith.subi %sign3A_135, %sign3A_138 : i32
    %ne3A_140 = arith.cmpi ne, %sign3A_132, %sign3A_139 : i32
    %rem3A_141 = arith.remsi %sub3A_52, %jit3A_124 : i32
    %ne3A_142 = arith.constant 0 : i32
    %ne3A_143 = arith.cmpi ne, %rem3A_141, %ne3A_142 : i32
    %and3A_144 = arith.andi %ne3A_140, %ne3A_143 : i1
    %sub3A_145 = arith.constant 1 : i32
    %sub3A_146 = arith.subi %div3A_125, %sub3A_145 : i32
    %select_n3A_147 = arith.select %and3A_144, %sub3A_146, %div3A_125 : i32
    %sub3A_148 = arith.constant 0 : i32
    %sub3A_149 = arith.subi %select_n3A_147, %sub3A_148 : i32
    %sub3A_150 = arith.constant 1 : i32
    %sub3A_151 = arith.constant 1 : i32
    %sub3A_152 = arith.subi %sub3A_150, %sub3A_151 : i32
    %add3A_153 = arith.addi %sub3A_149, %sub3A_152 : i32
    %div3A_154 = arith.constant 1 : i32
    %div3A_155 = arith.divsi %add3A_153, %div3A_154 : i32
    %while3A_156 = arith.constant 1 : i32
    %while3A_157 = arith.constant 0 : i32
    %while3A_158 = arith.constant 0 : i32
    %while3A_159 = arith.constant 0 : i32
    %while3A_160 = arith.constant 0 : i32
    %while3A_161 = arith.subi %div3A_155, %while3A_160 : i32
    %while3A_162 = arith.addi %while3A_160, %while3A_161 : i32
    %while3A_163 = arith.constant 1 : i32
    %while3A_164 = arith.divsi %while3A_161, %while3A_163 : i32
    %while3A_165 = arith.muli %while3A_164, %while3A_163 : i32
    %while3A_166 = arith.addi %while3A_160, %while3A_165 : i32
    %while3A_167 = arith.constant 1 : i32
    scf.for %while3A_179 = %while3A_160 to %while3A_166 step %while3A_167  : i32 {
      %mul3A_180 = arith.muli %while3A_179, %while3A_156 : i32
      %add3A_181 = arith.addi %while3A_157, %mul3A_180 : i32
      %mul3A_182 = arith.constant 2 : i32
      %mul3A_183 = arith.muli %mul3A_182, %add3A_181 : i32
      %add3A_184 = arith.addi %select_n3A, %mul3A_183 : i32
      %add3A_185 = arith.constant 1 : i32
      %add3A_186 = arith.addi %add3A_184, %add3A_185 : i32
      %mul3A_187 = arith.constant 96 : i32
      %mul3A_188 = arith.muli %add3A_186, %mul3A_187 : i32
      %add3A_189 = arith.constant 26000 : i32
      %add3A_190 = arith.addi %add3A_189, %mul3A_188 : i32
      %dma_start3A_191 = arith.constant 1 : i32
      %dma_start3A_192 = arith.constant 0 : i32
      %dma_start3A_193 = arith.constant 0 : i32
      %dma_start3A_194 = tpu.memref_slice %arg6[%dma_start3A_191, %dma_start3A_192, %dma_start3A_193] : memref<2x96x128xf32, #tpu.memory_space<vmem>> -> memref<1x96x128xf32, #tpu.memory_space<vmem>>
      %dma_start3A_195 = tpu.memref_squeeze %dma_start3A_194 : memref<1x96x128xf32, #tpu.memory_space<vmem>> -> memref<96x128xf32, #tpu.memory_space<vmem>>
      %dma_start3A_196 = arith.constant 0 : i32
      %dma_start3A_197 = tpu.memref_slice %arg2[%add3A_190, %dma_start3A_196] : memref<50000x256xf32, #tpu.memory_space<hbm>> -> memref<96x128xf32, #tpu.memory_space<hbm>>
      %dma_start3A_198 = arith.constant 0 : i32
      %dma_start3A_199 = arith.constant 0 : i32
      %dma_start3A_200 = tpu.memref_slice %arg6[%dma_start3A_191, %dma_start3A_198, %dma_start3A_199] : memref<2x96x128xf32, #tpu.memory_space<vmem>> -> memref<1x96x128xf32, #tpu.memory_space<vmem>>
      %dma_start3A_201 = tpu.memref_squeeze %dma_start3A_200 : memref<1x96x128xf32, #tpu.memory_space<vmem>> -> memref<96x128xf32, #tpu.memory_space<vmem>>
      %dma_start3A_202 = arith.constant 0 : i32
      %dma_start3A_203 = tpu.memref_slice %arg2[%add3A_190, %dma_start3A_202] : memref<50000x256xf32, #tpu.memory_space<hbm>> -> memref<96x128xf32, #tpu.memory_space<hbm>>
      tpu.enqueue_dma source(%dma_start3A_203 : memref<96x128xf32, #tpu.memory_space<hbm>>) target(%dma_start3A_201 : memref<96x128xf32, #tpu.memory_space<vmem>>) target_semaphore(%arg16 : memref<!tpu.dma_semaphore, #tpu.memory_space<semaphore_mem>>)
      %dma_start3A_204 = arith.constant 1 : i32
      %dma_start3A_205 = arith.constant 0 : i32
      %dma_start3A_206 = arith.constant 0 : i32
      %dma_start3A_207 = tpu.memref_slice %arg7[%dma_start3A_204, %dma_start3A_205, %dma_start3A_206] : memref<2x96x128xf32, #tpu.memory_space<vmem>> -> memref<1x96x128xf32, #tpu.memory_space<vmem>>
      %dma_start3A_208 = tpu.memref_squeeze %dma_start3A_207 : memref<1x96x128xf32, #tpu.memory_space<vmem>> -> memref<96x128xf32, #tpu.memory_space<vmem>>
      %dma_start3A_209 = arith.constant 128 : i32
      %dma_start3A_210 = tpu.memref_slice %arg2[%add3A_190, %dma_start3A_209] : memref<50000x256xf32, #tpu.memory_space<hbm>> -> memref<96x128xf32, #tpu.memory_space<hbm>>
      %dma_start3A_211 = arith.constant 0 : i32
      %dma_start3A_212 = arith.constant 0 : i32
      %dma_start3A_213 = tpu.memref_slice %arg7[%dma_start3A_204, %dma_start3A_211, %dma_start3A_212] : memref<2x96x128xf32, #tpu.memory_space<vmem>> -> memref<1x96x128xf32, #tpu.memory_space<vmem>>
      %dma_start3A_214 = tpu.memref_squeeze %dma_start3A_213 : memref<1x96x128xf32, #tpu.memory_space<vmem>> -> memref<96x128xf32, #tpu.memory_space<vmem>>
      %dma_start3A_215 = arith.constant 128 : i32
      %dma_start3A_216 = tpu.memref_slice %arg2[%add3A_190, %dma_start3A_215] : memref<50000x256xf32, #tpu.memory_space<hbm>> -> memref<96x128xf32, #tpu.memory_space<hbm>>
      tpu.enqueue_dma source(%dma_start3A_216 : memref<96x128xf32, #tpu.memory_space<hbm>>) target(%dma_start3A_214 : memref<96x128xf32, #tpu.memory_space<vmem>>) target_semaphore(%arg16 : memref<!tpu.dma_semaphore, #tpu.memory_space<semaphore_mem>>)
      %dma_start3A_217 = tpu.memref_slice %arg3[%add3A_190] : memref<50000xi32, #tpu.memory_space<hbm>> -> memref<96xi32, #tpu.memory_space<hbm>>
      %dma_start3A_218 = tpu.memref_slice %arg3[%add3A_190] : memref<50000xi32, #tpu.memory_space<hbm>> -> memref<96xi32, #tpu.memory_space<hbm>>
      tpu.enqueue_dma source(%dma_start3A_218 : memref<96xi32, #tpu.memory_space<hbm>>) target(%arg9 : memref<96xi32, #tpu.memory_space<vmem>>) target_semaphore(%arg16 : memref<!tpu.dma_semaphore, #tpu.memory_space<semaphore_mem>>)
      %dma_wait3A = arith.constant 0 : i32
      %dma_wait3A_219 = arith.constant 0 : i32
      %dma_wait3A_220 = tpu.memref_slice %arg6[%while3A_158, %dma_wait3A, %dma_wait3A_219] : memref<2x96x128xf32, #tpu.memory_space<vmem>> -> memref<1x96x128xf32, #tpu.memory_space<vmem>>
      %dma_wait3A_221 = tpu.memref_squeeze %dma_wait3A_220 : memref<1x96x128xf32, #tpu.memory_space<vmem>> -> memref<96x128xf32, #tpu.memory_space<vmem>>
      %dma_wait3A_222 = arith.constant 0 : i32
      %dma_wait3A_223 = tpu.memref_slice %arg2[%add3A_56, %dma_wait3A_222] : memref<50000x256xf32, #tpu.memory_space<hbm>> -> memref<96x128xf32, #tpu.memory_space<hbm>>
      %dma_wait3A_224 = arith.constant 0 : i32
      %dma_wait3A_225 = arith.constant 0 : i32
      %dma_wait3A_226 = tpu.memref_slice %arg6[%while3A_158, %dma_wait3A_224, %dma_wait3A_225] : memref<2x96x128xf32, #tpu.memory_space<vmem>> -> memref<1x96x128xf32, #tpu.memory_space<vmem>>
      %dma_wait3A_227 = tpu.memref_squeeze %dma_wait3A_226 : memref<1x96x128xf32, #tpu.memory_space<vmem>> -> memref<96x128xf32, #tpu.memory_space<vmem>>
      %dma_wait3A_228 = arith.constant 0 : i32
      %dma_wait3A_229 = tpu.memref_slice %arg2[%add3A_56, %dma_wait3A_228] : memref<50000x256xf32, #tpu.memory_space<hbm>> -> memref<96x128xf32, #tpu.memory_space<hbm>>
      tpu.wait_dma2 semaphore(%arg15 : memref<!tpu.dma_semaphore, #tpu.memory_space<semaphore_mem>>) src(%dma_wait3A_229 : memref<96x128xf32, #tpu.memory_space<hbm>>) dst(%dma_wait3A_227 : memref<96x128xf32, #tpu.memory_space<vmem>>)
      %dma_wait3A_230 = arith.constant 0 : i32
      %dma_wait3A_231 = arith.constant 0 : i32
      %dma_wait3A_232 = tpu.memref_slice %arg7[%while3A_159, %dma_wait3A_230, %dma_wait3A_231] : memref<2x96x128xf32, #tpu.memory_space<vmem>> -> memref<1x96x128xf32, #tpu.memory_space<vmem>>
      %dma_wait3A_233 = tpu.memref_squeeze %dma_wait3A_232 : memref<1x96x128xf32, #tpu.memory_space<vmem>> -> memref<96x128xf32, #tpu.memory_space<vmem>>
      %dma_wait3A_234 = arith.constant 128 : i32
      %dma_wait3A_235 = tpu.memref_slice %arg2[%add3A_56, %dma_wait3A_234] : memref<50000x256xf32, #tpu.memory_space<hbm>> -> memref<96x128xf32, #tpu.memory_space<hbm>>
      %dma_wait3A_236 = arith.constant 0 : i32
      %dma_wait3A_237 = arith.constant 0 : i32
      %dma_wait3A_238 = tpu.memref_slice %arg7[%while3A_159, %dma_wait3A_236, %dma_wait3A_237] : memref<2x96x128xf32, #tpu.memory_space<vmem>> -> memref<1x96x128xf32, #tpu.memory_space<vmem>>
      %dma_wait3A_239 = tpu.memref_squeeze %dma_wait3A_238 : memref<1x96x128xf32, #tpu.memory_space<vmem>> -> memref<96x128xf32, #tpu.memory_space<vmem>>
      %dma_wait3A_240 = arith.constant 128 : i32
      %dma_wait3A_241 = tpu.memref_slice %arg2[%add3A_56, %dma_wait3A_240] : memref<50000x256xf32, #tpu.memory_space<hbm>> -> memref<96x128xf32, #tpu.memory_space<hbm>>
      tpu.wait_dma2 semaphore(%arg15 : memref<!tpu.dma_semaphore, #tpu.memory_space<semaphore_mem>>) src(%dma_wait3A_241 : memref<96x128xf32, #tpu.memory_space<hbm>>) dst(%dma_wait3A_239 : memref<96x128xf32, #tpu.memory_space<vmem>>)
      %dma_wait3A_242 = tpu.memref_slice %arg3[%add3A_56] : memref<50000xi32, #tpu.memory_space<hbm>> -> memref<96xi32, #tpu.memory_space<hbm>>
      %dma_wait3A_243 = tpu.memref_slice %arg3[%add3A_56] : memref<50000xi32, #tpu.memory_space<hbm>> -> memref<96xi32, #tpu.memory_space<hbm>>
      tpu.wait_dma2 semaphore(%arg15 : memref<!tpu.dma_semaphore, #tpu.memory_space<semaphore_mem>>) src(%dma_wait3A_243 : memref<96xi32, #tpu.memory_space<hbm>>) dst(%arg8 : memref<96xi32, #tpu.memory_space<vmem>>)
      %run_scoped3A = arith.constant 0 : i32
      "tpu.region"() ({
        %run_scoped3A_291 = tpu.sem_alloc : memref<!tpu.dma_semaphore, #tpu.memory_space<semaphore_mem>>
        %dma_start3A_292 = arith.constant 0 : i32
        %dma_start3A_293 = arith.constant 0 : i32
        %dma_start3A_294 = tpu.memref_slice %arg6[%run_scoped3A, %dma_start3A_292, %dma_start3A_293] : memref<2x96x128xf32, #tpu.memory_space<vmem>> -> memref<1x96x128xf32, #tpu.memory_space<vmem>>
        %dma_start3A_295 = tpu.memref_squeeze %dma_start3A_294 : memref<1x96x128xf32, #tpu.memory_space<vmem>> -> memref<96x128xf32, #tpu.memory_space<vmem>>
        %dma_start3A_296 = arith.constant 0 : i32
        %dma_start3A_297 = arith.constant 0 : i32
        %dma_start3A_298 = tpu.memref_slice %arg13[%dma_start3A_296, %dma_start3A_297] : memref<1024x128xf32, #tpu.memory_space<vmem_shared>> -> memref<1024x128xf32, #tpu.memory_space<vmem_shared>>
        tpu.enqueue_indirect_dma source(%dma_start3A_295 : memref<96x128xf32, #tpu.memory_space<vmem>>) target(%dma_start3A_298 : memref<1024x128xf32, #tpu.memory_space<vmem_shared>>) offsets(%arg8 : memref<96xi32, #tpu.memory_space<vmem>>) semaphore(%run_scoped3A_291 : memref<!tpu.dma_semaphore, #tpu.memory_space<semaphore_mem>>) {add = true}
        %dma_wait3A_299 = arith.constant 0 : i32
        %dma_wait3A_300 = arith.constant 0 : i32
        %dma_wait3A_301 = tpu.memref_slice %arg6[%run_scoped3A, %dma_wait3A_299, %dma_wait3A_300] : memref<2x96x128xf32, #tpu.memory_space<vmem>> -> memref<1x96x128xf32, #tpu.memory_space<vmem>>
        %dma_wait3A_302 = tpu.memref_squeeze %dma_wait3A_301 : memref<1x96x128xf32, #tpu.memory_space<vmem>> -> memref<96x128xf32, #tpu.memory_space<vmem>>
        %dma_wait3A_303 = arith.constant 0 : i32
        %dma_wait3A_304 = arith.constant 0 : i32
        %dma_wait3A_305 = tpu.memref_slice %arg13[%dma_wait3A_303, %dma_wait3A_304] : memref<1024x128xf32, #tpu.memory_space<vmem_shared>> -> memref<1024x128xf32, #tpu.memory_space<vmem_shared>>
        tpu.wait_indirect_dma semaphore(%run_scoped3A_291 : memref<!tpu.dma_semaphore, #tpu.memory_space<semaphore_mem>>) src(%dma_wait3A_302 : memref<96x128xf32, #tpu.memory_space<vmem>>) dst(%dma_wait3A_305 : memref<1024x128xf32, #tpu.memory_space<vmem_shared>>)
        tpu.yield
      }) : () -> ()
      %run_scoped3A_244 = arith.constant 0 : i32
      "tpu.region"() ({
        %run_scoped3A_291 = tpu.sem_alloc : memref<!tpu.dma_semaphore, #tpu.memory_space<semaphore_mem>>
        %dma_start3A_292 = arith.constant 0 : i32
        %dma_start3A_293 = arith.constant 0 : i32
        %dma_start3A_294 = tpu.memref_slice %arg7[%run_scoped3A_244, %dma_start3A_292, %dma_start3A_293] : memref<2x96x128xf32, #tpu.memory_space<vmem>> -> memref<1x96x128xf32, #tpu.memory_space<vmem>>
        %dma_start3A_295 = tpu.memref_squeeze %dma_start3A_294 : memref<1x96x128xf32, #tpu.memory_space<vmem>> -> memref<96x128xf32, #tpu.memory_space<vmem>>
        %dma_start3A_296 = arith.constant 0 : i32
        %dma_start3A_297 = arith.constant 0 : i32
        %dma_start3A_298 = tpu.memref_slice %arg14[%dma_start3A_296, %dma_start3A_297] : memref<1024x128xf32, #tpu.memory_space<vmem_shared>> -> memref<1024x128xf32, #tpu.memory_space<vmem_shared>>
        tpu.enqueue_indirect_dma source(%dma_start3A_295 : memref<96x128xf32, #tpu.memory_space<vmem>>) target(%dma_start3A_298 : memref<1024x128xf32, #tpu.memory_space<vmem_shared>>) offsets(%arg8 : memref<96xi32, #tpu.memory_space<vmem>>) semaphore(%run_scoped3A_291 : memref<!tpu.dma_semaphore, #tpu.memory_space<semaphore_mem>>) {add = true}
        %dma_wait3A_299 = arith.constant 0 : i32
        %dma_wait3A_300 = arith.constant 0 : i32
        %dma_wait3A_301 = tpu.memref_slice %arg7[%run_scoped3A_244, %dma_wait3A_299, %dma_wait3A_300] : memref<2x96x128xf32, #tpu.memory_space<vmem>> -> memref<1x96x128xf32, #tpu.memory_space<vmem>>
        %dma_wait3A_302 = tpu.memref_squeeze %dma_wait3A_301 : memref<1x96x128xf32, #tpu.memory_space<vmem>> -> memref<96x128xf32, #tpu.memory_space<vmem>>
        %dma_wait3A_303 = arith.constant 0 : i32
        %dma_wait3A_304 = arith.constant 0 : i32
        %dma_wait3A_305 = tpu.memref_slice %arg14[%dma_wait3A_303, %dma_wait3A_304] : memref<1024x128xf32, #tpu.memory_space<vmem_shared>> -> memref<1024x128xf32, #tpu.memory_space<vmem_shared>>
        tpu.wait_indirect_dma semaphore(%run_scoped3A_291 : memref<!tpu.dma_semaphore, #tpu.memory_space<semaphore_mem>>) src(%dma_wait3A_302 : memref<96x128xf32, #tpu.memory_space<vmem>>) dst(%dma_wait3A_305 : memref<1024x128xf32, #tpu.memory_space<vmem_shared>>)
        tpu.yield
      }) : () -> ()
      %scan3A_245 = arith.constant 0 : i32
      %scan3A_246 = arith.constant 6 : i32
      %scan3A_247 = arith.addi %scan3A_245, %scan3A_246 : i32
      %scan3A_248 = arith.constant 1 : i32
      scf.for %scan3A_291 = %scan3A_245 to %scan3A_247 step %scan3A_248  : i32 {
        %mul3A_292 = arith.constant 1 : i32
        %mul3A_293 = arith.muli %scan3A_291, %mul3A_292 : i32
        %add3A_294 = arith.constant 0 : i32
        %add3A_295 = arith.addi %add3A_294, %mul3A_293 : i32
        %mul3A_296 = arith.constant 16 : i32
        %mul3A_297 = arith.muli %add3A_295, %mul3A_296 : i32
        %get3A = arith.index_cast %mul3A_297 : i32 to index
        %get3A_298 = tpu.vector_load %arg8[%get3A] {strides = array<i32>} : memref<96xi32, #tpu.memory_space<vmem>>, vector<16xi32>,
        tpu.vector_store_idx %arg10[%get3A_298], %broadcast_in_dim3A_1 {add = true} : memref<1024xf32, #tpu.memory_space<vmem>>[vector<16xi32>], vector<16xf32>,
      }
      %scan3A_249 = arith.constant 6 : i32
      %add3A_250 = arith.constant 2 : i32
      %add3A_251 = arith.addi %add3A_184, %add3A_250 : i32
      %lt3A_252 = arith.cmpi slt, %add3A_251, %select_n3A_51 : i32
      %convert_element_type3A_253 = arith.extui %lt3A_252 : i1 to i32
      %cond3A_254 = arith.constant 0 : i32
      %cond3A_255 = arith.cmpi ne, %convert_element_type3A_253, %cond3A_254 : i32
      scf.if %cond3A_255 {
        %add3A_291 = arith.constant 2 : i32
        %add3A_292 = arith.addi %add3A_184, %add3A_291 : i32
        %mul3A_293 = arith.constant 96 : i32
        %mul3A_294 = arith.muli %add3A_292, %mul3A_293 : i32
        %add3A_295 = arith.constant 26000 : i32
        %add3A_296 = arith.addi %add3A_295, %mul3A_294 : i32
        %dma_start3A_297 = arith.constant 0 : i32
        %dma_start3A_298 = arith.constant 0 : i32
        %dma_start3A_299 = arith.constant 0 : i32
        %dma_start3A_300 = tpu.memref_slice %arg6[%dma_start3A_297, %dma_start3A_298, %dma_start3A_299] : memref<2x96x128xf32, #tpu.memory_space<vmem>> -> memref<1x96x128xf32, #tpu.memory_space<vmem>>
        %dma_start3A_301 = tpu.memref_squeeze %dma_start3A_300 : memref<1x96x128xf32, #tpu.memory_space<vmem>> -> memref<96x128xf32, #tpu.memory_space<vmem>>
        %dma_start3A_302 = arith.constant 0 : i32
        %dma_start3A_303 = tpu.memref_slice %arg2[%add3A_296, %dma_start3A_302] : memref<50000x256xf32, #tpu.memory_space<hbm>> -> memref<96x128xf32, #tpu.memory_space<hbm>>
        %dma_start3A_304 = arith.constant 0 : i32
        %dma_start3A_305 = arith.constant 0 : i32
        %dma_start3A_306 = tpu.memref_slice %arg6[%dma_start3A_297, %dma_start3A_304, %dma_start3A_305] : memref<2x96x128xf32, #tpu.memory_space<vmem>> -> memref<1x96x128xf32, #tpu.memory_space<vmem>>
        %dma_start3A_307 = tpu.memref_squeeze %dma_start3A_306 : memref<1x96x128xf32, #tpu.memory_space<vmem>> -> memref<96x128xf32, #tpu.memory_space<vmem>>
        %dma_start3A_308 = arith.constant 0 : i32
        %dma_start3A_309 = tpu.memref_slice %arg2[%add3A_296, %dma_start3A_308] : memref<50000x256xf32, #tpu.memory_space<hbm>> -> memref<96x128xf32, #tpu.memory_space<hbm>>
        tpu.enqueue_dma source(%dma_start3A_309 : memref<96x128xf32, #tpu.memory_space<hbm>>) target(%dma_start3A_307 : memref<96x128xf32, #tpu.memory_space<vmem>>) target_semaphore(%arg15 : memref<!tpu.dma_semaphore, #tpu.memory_space<semaphore_mem>>)
        %dma_start3A_310 = arith.constant 0 : i32
        %dma_start3A_311 = arith.constant 0 : i32
        %dma_start3A_312 = arith.constant 0 : i32
        %dma_start3A_313 = tpu.memref_slice %arg7[%dma_start3A_310, %dma_start3A_311, %dma_start3A_312] : memref<2x96x128xf32, #tpu.memory_space<vmem>> -> memref<1x96x128xf32, #tpu.memory_space<vmem>>
        %dma_start3A_314 = tpu.memref_squeeze %dma_start3A_313 : memref<1x96x128xf32, #tpu.memory_space<vmem>> -> memref<96x128xf32, #tpu.memory_space<vmem>>
        %dma_start3A_315 = arith.constant 128 : i32
        %dma_start3A_316 = tpu.memref_slice %arg2[%add3A_296, %dma_start3A_315] : memref<50000x256xf32, #tpu.memory_space<hbm>> -> memref<96x128xf32, #tpu.memory_space<hbm>>
        %dma_start3A_317 = arith.constant 0 : i32
        %dma_start3A_318 = arith.constant 0 : i32
        %dma_start3A_319 = tpu.memref_slice %arg7[%dma_start3A_310, %dma_start3A_317, %dma_start3A_318] : memref<2x96x128xf32, #tpu.memory_space<vmem>> -> memref<1x96x128xf32, #tpu.memory_space<vmem>>
        %dma_start3A_320 = tpu.memref_squeeze %dma_start3A_319 : memref<1x96x128xf32, #tpu.memory_space<vmem>> -> memref<96x128xf32, #tpu.memory_space<vmem>>
        %dma_start3A_321 = arith.constant 128 : i32
        %dma_start3A_322 = tpu.memref_slice %arg2[%add3A_296, %dma_start3A_321] : memref<50000x256xf32, #tpu.memory_space<hbm>> -> memref<96x128xf32, #tpu.memory_space<hbm>>
        tpu.enqueue_dma source(%dma_start3A_322 : memref<96x128xf32, #tpu.memory_space<hbm>>) target(%dma_start3A_320 : memref<96x128xf32, #tpu.memory_space<vmem>>) target_semaphore(%arg15 : memref<!tpu.dma_semaphore, #tpu.memory_space<semaphore_mem>>)
        %dma_start3A_323 = tpu.memref_slice %arg3[%add3A_296] : memref<50000xi32, #tpu.memory_space<hbm>> -> memref<96xi32, #tpu.memory_space<hbm>>
        %dma_start3A_324 = tpu.memref_slice %arg3[%add3A_296] : memref<50000xi32, #tpu.memory_space<hbm>> -> memref<96xi32, #tpu.memory_space<hbm>>
        tpu.enqueue_dma source(%dma_start3A_324 : memref<96xi32, #tpu.memory_space<hbm>>) target(%arg8 : memref<96xi32, #tpu.memory_space<vmem>>) target_semaphore(%arg15 : memref<!tpu.dma_semaphore, #tpu.memory_space<semaphore_mem>>)
      } else {
      }
      %dma_wait3A_256 = arith.constant 1 : i32
      %dma_wait3A_257 = arith.constant 0 : i32
      %dma_wait3A_258 = arith.constant 0 : i32
      %dma_wait3A_259 = tpu.memref_slice %arg6[%dma_wait3A_256, %dma_wait3A_257, %dma_wait3A_258] : memref<2x96x128xf32, #tpu.memory_space<vmem>> -> memref<1x96x128xf32, #tpu.memory_space<vmem>>
      %dma_wait3A_260 = tpu.memref_squeeze %dma_wait3A_259 : memref<1x96x128xf32, #tpu.memory_space<vmem>> -> memref<96x128xf32, #tpu.memory_space<vmem>>
      %dma_wait3A_261 = arith.constant 0 : i32
      %dma_wait3A_262 = tpu.memref_slice %arg2[%add3A_190, %dma_wait3A_261] : memref<50000x256xf32, #tpu.memory_space<hbm>> -> memref<96x128xf32, #tpu.memory_space<hbm>>
      %dma_wait3A_263 = arith.constant 0 : i32
      %dma_wait3A_264 = arith.constant 0 : i32
      %dma_wait3A_265 = tpu.memref_slice %arg6[%dma_wait3A_256, %dma_wait3A_263, %dma_wait3A_264] : memref<2x96x128xf32, #tpu.memory_space<vmem>> -> memref<1x96x128xf32, #tpu.memory_space<vmem>>
      %dma_wait3A_266 = tpu.memref_squeeze %dma_wait3A_265 : memref<1x96x128xf32, #tpu.memory_space<vmem>> -> memref<96x128xf32, #tpu.memory_space<vmem>>
      %dma_wait3A_267 = arith.constant 0 : i32
      %dma_wait3A_268 = tpu.memref_slice %arg2[%add3A_190, %dma_wait3A_267] : memref<50000x256xf32, #tpu.memory_space<hbm>> -> memref<96x128xf32, #tpu.memory_space<hbm>>
      tpu.wait_dma2 semaphore(%arg16 : memref<!tpu.dma_semaphore, #tpu.memory_space<semaphore_mem>>) src(%dma_wait3A_268 : memref<96x128xf32, #tpu.memory_space<hbm>>) dst(%dma_wait3A_266 : memref<96x128xf32, #tpu.memory_space<vmem>>)
      %dma_wait3A_269 = arith.constant 1 : i32
      %dma_wait3A_270 = arith.constant 0 : i32
      %dma_wait3A_271 = arith.constant 0 : i32
      %dma_wait3A_272 = tpu.memref_slice %arg7[%dma_wait3A_269, %dma_wait3A_270, %dma_wait3A_271] : memref<2x96x128xf32, #tpu.memory_space<vmem>> -> memref<1x96x128xf32, #tpu.memory_space<vmem>>
      %dma_wait3A_273 = tpu.memref_squeeze %dma_wait3A_272 : memref<1x96x128xf32, #tpu.memory_space<vmem>> -> memref<96x128xf32, #tpu.memory_space<vmem>>
      %dma_wait3A_274 = arith.constant 128 : i32
      %dma_wait3A_275 = tpu.memref_slice %arg2[%add3A_190, %dma_wait3A_274] : memref<50000x256xf32, #tpu.memory_space<hbm>> -> memref<96x128xf32, #tpu.memory_space<hbm>>
      %dma_wait3A_276 = arith.constant 0 : i32
      %dma_wait3A_277 = arith.constant 0 : i32
      %dma_wait3A_278 = tpu.memref_slice %arg7[%dma_wait3A_269, %dma_wait3A_276, %dma_wait3A_277] : memref<2x96x128xf32, #tpu.memory_space<vmem>> -> memref<1x96x128xf32, #tpu.memory_space<vmem>>
      %dma_wait3A_279 = tpu.memref_squeeze %dma_wait3A_278 : memref<1x96x128xf32, #tpu.memory_space<vmem>> -> memref<96x128xf32, #tpu.memory_space<vmem>>
      %dma_wait3A_280 = arith.constant 128 : i32
      %dma_wait3A_281 = tpu.memref_slice %arg2[%add3A_190, %dma_wait3A_280] : memref<50000x256xf32, #tpu.memory_space<hbm>> -> memref<96x128xf32, #tpu.memory_space<hbm>>
      tpu.wait_dma2 semaphore(%arg16 : memref<!tpu.dma_semaphore, #tpu.memory_space<semaphore_mem>>) src(%dma_wait3A_281 : memref<96x128xf32, #tpu.memory_space<hbm>>) dst(%dma_wait3A_279 : memref<96x128xf32, #tpu.memory_space<vmem>>)
      %dma_wait3A_282 = tpu.memref_slice %arg3[%add3A_190] : memref<50000xi32, #tpu.memory_space<hbm>> -> memref<96xi32, #tpu.memory_space<hbm>>
      %dma_wait3A_283 = tpu.memref_slice %arg3[%add3A_190] : memref<50000xi32, #tpu.memory_space<hbm>> -> memref<96xi32, #tpu.memory_space<hbm>>
      tpu.wait_dma2 semaphore(%arg16 : memref<!tpu.dma_semaphore, #tpu.memory_space<semaphore_mem>>) src(%dma_wait3A_283 : memref<96xi32, #tpu.memory_space<hbm>>) dst(%arg9 : memref<96xi32, #tpu.memory_space<vmem>>)
      %run_scoped3A_284 = arith.constant 1 : i32
      "tpu.region"() ({
        %run_scoped3A_291 = tpu.sem_alloc : memref<!tpu.dma_semaphore, #tpu.memory_space<semaphore_mem>>
        %dma_start3A_292 = arith.constant 0 : i32
        %dma_start3A_293 = arith.constant 0 : i32
        %dma_start3A_294 = tpu.memref_slice %arg6[%run_scoped3A_284, %dma_start3A_292, %dma_start3A_293] : memref<2x96x128xf32, #tpu.memory_space<vmem>> -> memref<1x96x128xf32, #tpu.memory_space<vmem>>
        %dma_start3A_295 = tpu.memref_squeeze %dma_start3A_294 : memref<1x96x128xf32, #tpu.memory_space<vmem>> -> memref<96x128xf32, #tpu.memory_space<vmem>>
        %dma_start3A_296 = arith.constant 0 : i32
        %dma_start3A_297 = arith.constant 0 : i32
        %dma_start3A_298 = tpu.memref_slice %arg13[%dma_start3A_296, %dma_start3A_297] : memref<1024x128xf32, #tpu.memory_space<vmem_shared>> -> memref<1024x128xf32, #tpu.memory_space<vmem_shared>>
        tpu.enqueue_indirect_dma source(%dma_start3A_295 : memref<96x128xf32, #tpu.memory_space<vmem>>) target(%dma_start3A_298 : memref<1024x128xf32, #tpu.memory_space<vmem_shared>>) offsets(%arg9 : memref<96xi32, #tpu.memory_space<vmem>>) semaphore(%run_scoped3A_291 : memref<!tpu.dma_semaphore, #tpu.memory_space<semaphore_mem>>) {add = true}
        %dma_wait3A_299 = arith.constant 0 : i32
        %dma_wait3A_300 = arith.constant 0 : i32
        %dma_wait3A_301 = tpu.memref_slice %arg6[%run_scoped3A_284, %dma_wait3A_299, %dma_wait3A_300] : memref<2x96x128xf32, #tpu.memory_space<vmem>> -> memref<1x96x128xf32, #tpu.memory_space<vmem>>
        %dma_wait3A_302 = tpu.memref_squeeze %dma_wait3A_301 : memref<1x96x128xf32, #tpu.memory_space<vmem>> -> memref<96x128xf32, #tpu.memory_space<vmem>>
        %dma_wait3A_303 = arith.constant 0 : i32
        %dma_wait3A_304 = arith.constant 0 : i32
        %dma_wait3A_305 = tpu.memref_slice %arg13[%dma_wait3A_303, %dma_wait3A_304] : memref<1024x128xf32, #tpu.memory_space<vmem_shared>> -> memref<1024x128xf32, #tpu.memory_space<vmem_shared>>
        tpu.wait_indirect_dma semaphore(%run_scoped3A_291 : memref<!tpu.dma_semaphore, #tpu.memory_space<semaphore_mem>>) src(%dma_wait3A_302 : memref<96x128xf32, #tpu.memory_space<vmem>>) dst(%dma_wait3A_305 : memref<1024x128xf32, #tpu.memory_space<vmem_shared>>)
        tpu.yield
      }) : () -> ()
      %run_scoped3A_285 = arith.constant 1 : i32
      "tpu.region"() ({
        %run_scoped3A_291 = tpu.sem_alloc : memref<!tpu.dma_semaphore, #tpu.memory_space<semaphore_mem>>
        %dma_start3A_292 = arith.constant 0 : i32
        %dma_start3A_293 = arith.constant 0 : i32
        %dma_start3A_294 = tpu.memref_slice %arg7[%run_scoped3A_285, %dma_start3A_292, %dma_start3A_293] : memref<2x96x128xf32, #tpu.memory_space<vmem>> -> memref<1x96x128xf32, #tpu.memory_space<vmem>>
        %dma_start3A_295 = tpu.memref_squeeze %dma_start3A_294 : memref<1x96x128xf32, #tpu.memory_space<vmem>> -> memref<96x128xf32, #tpu.memory_space<vmem>>
        %dma_start3A_296 = arith.constant 0 : i32
        %dma_start3A_297 = arith.constant 0 : i32
        %dma_start3A_298 = tpu.memref_slice %arg14[%dma_start3A_296, %dma_start3A_297] : memref<1024x128xf32, #tpu.memory_space<vmem_shared>> -> memref<1024x128xf32, #tpu.memory_space<vmem_shared>>
        tpu.enqueue_indirect_dma source(%dma_start3A_295 : memref<96x128xf32, #tpu.memory_space<vmem>>) target(%dma_start3A_298 : memref<1024x128xf32, #tpu.memory_space<vmem_shared>>) offsets(%arg9 : memref<96xi32, #tpu.memory_space<vmem>>) semaphore(%run_scoped3A_291 : memref<!tpu.dma_semaphore, #tpu.memory_space<semaphore_mem>>) {add = true}
        %dma_wait3A_299 = arith.constant 0 : i32
        %dma_wait3A_300 = arith.constant 0 : i32
        %dma_wait3A_301 = tpu.memref_slice %arg7[%run_scoped3A_285, %dma_wait3A_299, %dma_wait3A_300] : memref<2x96x128xf32, #tpu.memory_space<vmem>> -> memref<1x96x128xf32, #tpu.memory_space<vmem>>
        %dma_wait3A_302 = tpu.memref_squeeze %dma_wait3A_301 : memref<1x96x128xf32, #tpu.memory_space<vmem>> -> memref<96x128xf32, #tpu.memory_space<vmem>>
        %dma_wait3A_303 = arith.constant 0 : i32
        %dma_wait3A_304 = arith.constant 0 : i32
        %dma_wait3A_305 = tpu.memref_slice %arg14[%dma_wait3A_303, %dma_wait3A_304] : memref<1024x128xf32, #tpu.memory_space<vmem_shared>> -> memref<1024x128xf32, #tpu.memory_space<vmem_shared>>
        tpu.wait_indirect_dma semaphore(%run_scoped3A_291 : memref<!tpu.dma_semaphore, #tpu.memory_space<semaphore_mem>>) src(%dma_wait3A_302 : memref<96x128xf32, #tpu.memory_space<vmem>>) dst(%dma_wait3A_305 : memref<1024x128xf32, #tpu.memory_space<vmem_shared>>)
        tpu.yield
      }) : () -> ()
      %scan3A_286 = arith.constant 0 : i32
      %scan3A_287 = arith.constant 6 : i32
      %scan3A_288 = arith.addi %scan3A_286, %scan3A_287 : i32
      %scan3A_289 = arith.constant 1 : i32
      scf.for %scan3A_291 = %scan3A_286 to %scan3A_288 step %scan3A_289  : i32 {
        %mul3A_292 = arith.constant 1 : i32
        %mul3A_293 = arith.muli %scan3A_291, %mul3A_292 : i32
        %add3A_294 = arith.constant 0 : i32
        %add3A_295 = arith.addi %add3A_294, %mul3A_293 : i32
        %mul3A_296 = arith.constant 16 : i32
        %mul3A_297 = arith.muli %add3A_295, %mul3A_296 : i32
        %get3A = arith.index_cast %mul3A_297 : i32 to index
        %get3A_298 = tpu.vector_load %arg9[%get3A] {strides = array<i32>} : memref<96xi32, #tpu.memory_space<vmem>>, vector<16xi32>,
        tpu.vector_store_idx %arg10[%get3A_298], %broadcast_in_dim3A_1 {add = true} : memref<1024xf32, #tpu.memory_space<vmem>>[vector<16xi32>], vector<16xf32>,
      }
      %scan3A_290 = arith.constant 6 : i32
    }
    %while3A_168 = arith.constant 1 : i32
    scf.for %while3A_179 = %while3A_166 to %while3A_162 step %while3A_168  : i32 {
      %mul3A_180 = arith.muli %while3A_179, %while3A_156 : i32
      %add3A_181 = arith.addi %while3A_157, %mul3A_180 : i32
      %mul3A_182 = arith.constant 2 : i32
      %mul3A_183 = arith.muli %mul3A_182, %add3A_181 : i32
      %add3A_184 = arith.addi %select_n3A, %mul3A_183 : i32
      %add3A_185 = arith.constant 1 : i32
      %add3A_186 = arith.addi %add3A_184, %add3A_185 : i32
      %mul3A_187 = arith.constant 96 : i32
      %mul3A_188 = arith.muli %add3A_186, %mul3A_187 : i32
      %add3A_189 = arith.constant 26000 : i32
      %add3A_190 = arith.addi %add3A_189, %mul3A_188 : i32
      %dma_start3A_191 = arith.constant 1 : i32
      %dma_start3A_192 = arith.constant 0 : i32
      %dma_start3A_193 = arith.constant 0 : i32
      %dma_start3A_194 = tpu.memref_slice %arg6[%dma_start3A_191, %dma_start3A_192, %dma_start3A_193] : memref<2x96x128xf32, #tpu.memory_space<vmem>> -> memref<1x96x128xf32, #tpu.memory_space<vmem>>
      %dma_start3A_195 = tpu.memref_squeeze %dma_start3A_194 : memref<1x96x128xf32, #tpu.memory_space<vmem>> -> memref<96x128xf32, #tpu.memory_space<vmem>>
      %dma_start3A_196 = arith.constant 0 : i32
      %dma_start3A_197 = tpu.memref_slice %arg2[%add3A_190, %dma_start3A_196] : memref<50000x256xf32, #tpu.memory_space<hbm>> -> memref<96x128xf32, #tpu.memory_space<hbm>>
      %dma_start3A_198 = arith.constant 0 : i32
      %dma_start3A_199 = arith.constant 0 : i32
      %dma_start3A_200 = tpu.memref_slice %arg6[%dma_start3A_191, %dma_start3A_198, %dma_start3A_199] : memref<2x96x128xf32, #tpu.memory_space<vmem>> -> memref<1x96x128xf32, #tpu.memory_space<vmem>>
      %dma_start3A_201 = tpu.memref_squeeze %dma_start3A_200 : memref<1x96x128xf32, #tpu.memory_space<vmem>> -> memref<96x128xf32, #tpu.memory_space<vmem>>
      %dma_start3A_202 = arith.constant 0 : i32
      %dma_start3A_203 = tpu.memref_slice %arg2[%add3A_190, %dma_start3A_202] : memref<50000x256xf32, #tpu.memory_space<hbm>> -> memref<96x128xf32, #tpu.memory_space<hbm>>
      tpu.enqueue_dma source(%dma_start3A_203 : memref<96x128xf32, #tpu.memory_space<hbm>>) target(%dma_start3A_201 : memref<96x128xf32, #tpu.memory_space<vmem>>) target_semaphore(%arg16 : memref<!tpu.dma_semaphore, #tpu.memory_space<semaphore_mem>>)
      %dma_start3A_204 = arith.constant 1 : i32
      %dma_start3A_205 = arith.constant 0 : i32
      %dma_start3A_206 = arith.constant 0 : i32
      %dma_start3A_207 = tpu.memref_slice %arg7[%dma_start3A_204, %dma_start3A_205, %dma_start3A_206] : memref<2x96x128xf32, #tpu.memory_space<vmem>> -> memref<1x96x128xf32, #tpu.memory_space<vmem>>
      %dma_start3A_208 = tpu.memref_squeeze %dma_start3A_207 : memref<1x96x128xf32, #tpu.memory_space<vmem>> -> memref<96x128xf32, #tpu.memory_space<vmem>>
      %dma_start3A_209 = arith.constant 128 : i32
      %dma_start3A_210 = tpu.memref_slice %arg2[%add3A_190, %dma_start3A_209] : memref<50000x256xf32, #tpu.memory_space<hbm>> -> memref<96x128xf32, #tpu.memory_space<hbm>>
      %dma_start3A_211 = arith.constant 0 : i32
      %dma_start3A_212 = arith.constant 0 : i32
      %dma_start3A_213 = tpu.memref_slice %arg7[%dma_start3A_204, %dma_start3A_211, %dma_start3A_212] : memref<2x96x128xf32, #tpu.memory_space<vmem>> -> memref<1x96x128xf32, #tpu.memory_space<vmem>>
      %dma_start3A_214 = tpu.memref_squeeze %dma_start3A_213 : memref<1x96x128xf32, #tpu.memory_space<vmem>> -> memref<96x128xf32, #tpu.memory_space<vmem>>
      %dma_start3A_215 = arith.constant 128 : i32
      %dma_start3A_216 = tpu.memref_slice %arg2[%add3A_190, %dma_start3A_215] : memref<50000x256xf32, #tpu.memory_space<hbm>> -> memref<96x128xf32, #tpu.memory_space<hbm>>
      tpu.enqueue_dma source(%dma_start3A_216 : memref<96x128xf32, #tpu.memory_space<hbm>>) target(%dma_start3A_214 : memref<96x128xf32, #tpu.memory_space<vmem>>) target_semaphore(%arg16 : memref<!tpu.dma_semaphore, #tpu.memory_space<semaphore_mem>>)
      %dma_start3A_217 = tpu.memref_slice %arg3[%add3A_190] : memref<50000xi32, #tpu.memory_space<hbm>> -> memref<96xi32, #tpu.memory_space<hbm>>
      %dma_start3A_218 = tpu.memref_slice %arg3[%add3A_190] : memref<50000xi32, #tpu.memory_space<hbm>> -> memref<96xi32, #tpu.memory_space<hbm>>
      tpu.enqueue_dma source(%dma_start3A_218 : memref<96xi32, #tpu.memory_space<hbm>>) target(%arg9 : memref<96xi32, #tpu.memory_space<vmem>>) target_semaphore(%arg16 : memref<!tpu.dma_semaphore, #tpu.memory_space<semaphore_mem>>)
      %dma_wait3A = arith.constant 0 : i32
      %dma_wait3A_219 = arith.constant 0 : i32
      %dma_wait3A_220 = tpu.memref_slice %arg6[%while3A_158, %dma_wait3A, %dma_wait3A_219] : memref<2x96x128xf32, #tpu.memory_space<vmem>> -> memref<1x96x128xf32, #tpu.memory_space<vmem>>
      %dma_wait3A_221 = tpu.memref_squeeze %dma_wait3A_220 : memref<1x96x128xf32, #tpu.memory_space<vmem>> -> memref<96x128xf32, #tpu.memory_space<vmem>>
      %dma_wait3A_222 = arith.constant 0 : i32
      %dma_wait3A_223 = tpu.memref_slice %arg2[%add3A_56, %dma_wait3A_222] : memref<50000x256xf32, #tpu.memory_space<hbm>> -> memref<96x128xf32, #tpu.memory_space<hbm>>
      %dma_wait3A_224 = arith.constant 0 : i32
      %dma_wait3A_225 = arith.constant 0 : i32
      %dma_wait3A_226 = tpu.memref_slice %arg6[%while3A_158, %dma_wait3A_224, %dma_wait3A_225] : memref<2x96x128xf32, #tpu.memory_space<vmem>> -> memref<1x96x128xf32, #tpu.memory_space<vmem>>
      %dma_wait3A_227 = tpu.memref_squeeze %dma_wait3A_226 : memref<1x96x128xf32, #tpu.memory_space<vmem>> -> memref<96x128xf32, #tpu.memory_space<vmem>>
      %dma_wait3A_228 = arith.constant 0 : i32
      %dma_wait3A_229 = tpu.memref_slice %arg2[%add3A_56, %dma_wait3A_228] : memref<50000x256xf32, #tpu.memory_space<hbm>> -> memref<96x128xf32, #tpu.memory_space<hbm>>
      tpu.wait_dma2 semaphore(%arg15 : memref<!tpu.dma_semaphore, #tpu.memory_space<semaphore_mem>>) src(%dma_wait3A_229 : memref<96x128xf32, #tpu.memory_space<hbm>>) dst(%dma_wait3A_227 : memref<96x128xf32, #tpu.memory_space<vmem>>)
      %dma_wait3A_230 = arith.constant 0 : i32
      %dma_wait3A_231 = arith.constant 0 : i32
      %dma_wait3A_232 = tpu.memref_slice %arg7[%while3A_159, %dma_wait3A_230, %dma_wait3A_231] : memref<2x96x128xf32, #tpu.memory_space<vmem>> -> memref<1x96x128xf32, #tpu.memory_space<vmem>>
      %dma_wait3A_233 = tpu.memref_squeeze %dma_wait3A_232 : memref<1x96x128xf32, #tpu.memory_space<vmem>> -> memref<96x128xf32, #tpu.memory_space<vmem>>
      %dma_wait3A_234 = arith.constant 128 : i32
      %dma_wait3A_235 = tpu.memref_slice %arg2[%add3A_56, %dma_wait3A_234] : memref<50000x256xf32, #tpu.memory_space<hbm>> -> memref<96x128xf32, #tpu.memory_space<hbm>>
      %dma_wait3A_236 = arith.constant 0 : i32
      %dma_wait3A_237 = arith.constant 0 : i32
      %dma_wait3A_238 = tpu.memref_slice %arg7[%while3A_159, %dma_wait3A_236, %dma_wait3A_237] : memref<2x96x128xf32, #tpu.memory_space<vmem>> -> memref<1x96x128xf32, #tpu.memory_space<vmem>>
      %dma_wait3A_239 = tpu.memref_squeeze %dma_wait3A_238 : memref<1x96x128xf32, #tpu.memory_space<vmem>> -> memref<96x128xf32, #tpu.memory_space<vmem>>
      %dma_wait3A_240 = arith.constant 128 : i32
      %dma_wait3A_241 = tpu.memref_slice %arg2[%add3A_56, %dma_wait3A_240] : memref<50000x256xf32, #tpu.memory_space<hbm>> -> memref<96x128xf32, #tpu.memory_space<hbm>>
      tpu.wait_dma2 semaphore(%arg15 : memref<!tpu.dma_semaphore, #tpu.memory_space<semaphore_mem>>) src(%dma_wait3A_241 : memref<96x128xf32, #tpu.memory_space<hbm>>) dst(%dma_wait3A_239 : memref<96x128xf32, #tpu.memory_space<vmem>>)
      %dma_wait3A_242 = tpu.memref_slice %arg3[%add3A_56] : memref<50000xi32, #tpu.memory_space<hbm>> -> memref<96xi32, #tpu.memory_space<hbm>>
      %dma_wait3A_243 = tpu.memref_slice %arg3[%add3A_56] : memref<50000xi32, #tpu.memory_space<hbm>> -> memref<96xi32, #tpu.memory_space<hbm>>
      tpu.wait_dma2 semaphore(%arg15 : memref<!tpu.dma_semaphore, #tpu.memory_space<semaphore_mem>>) src(%dma_wait3A_243 : memref<96xi32, #tpu.memory_space<hbm>>) dst(%arg8 : memref<96xi32, #tpu.memory_space<vmem>>)
      %run_scoped3A = arith.constant 0 : i32
      "tpu.region"() ({
        %run_scoped3A_291 = tpu.sem_alloc : memref<!tpu.dma_semaphore, #tpu.memory_space<semaphore_mem>>
        %dma_start3A_292 = arith.constant 0 : i32
        %dma_start3A_293 = arith.constant 0 : i32
        %dma_start3A_294 = tpu.memref_slice %arg6[%run_scoped3A, %dma_start3A_292, %dma_start3A_293] : memref<2x96x128xf32, #tpu.memory_space<vmem>> -> memref<1x96x128xf32, #tpu.memory_space<vmem>>
        %dma_start3A_295 = tpu.memref_squeeze %dma_start3A_294 : memref<1x96x128xf32, #tpu.memory_space<vmem>> -> memref<96x128xf32, #tpu.memory_space<vmem>>
        %dma_start3A_296 = arith.constant 0 : i32
        %dma_start3A_297 = arith.constant 0 : i32
        %dma_start3A_298 = tpu.memref_slice %arg13[%dma_start3A_296, %dma_start3A_297] : memref<1024x128xf32, #tpu.memory_space<vmem_shared>> -> memref<1024x128xf32, #tpu.memory_space<vmem_shared>>
        tpu.enqueue_indirect_dma source(%dma_start3A_295 : memref<96x128xf32, #tpu.memory_space<vmem>>) target(%dma_start3A_298 : memref<1024x128xf32, #tpu.memory_space<vmem_shared>>) offsets(%arg8 : memref<96xi32, #tpu.memory_space<vmem>>) semaphore(%run_scoped3A_291 : memref<!tpu.dma_semaphore, #tpu.memory_space<semaphore_mem>>) {add = true}
        %dma_wait3A_299 = arith.constant 0 : i32
        %dma_wait3A_300 = arith.constant 0 : i32
        %dma_wait3A_301 = tpu.memref_slice %arg6[%run_scoped3A, %dma_wait3A_299, %dma_wait3A_300] : memref<2x96x128xf32, #tpu.memory_space<vmem>> -> memref<1x96x128xf32, #tpu.memory_space<vmem>>
        %dma_wait3A_302 = tpu.memref_squeeze %dma_wait3A_301 : memref<1x96x128xf32, #tpu.memory_space<vmem>> -> memref<96x128xf32, #tpu.memory_space<vmem>>
        %dma_wait3A_303 = arith.constant 0 : i32
        %dma_wait3A_304 = arith.constant 0 : i32
        %dma_wait3A_305 = tpu.memref_slice %arg13[%dma_wait3A_303, %dma_wait3A_304] : memref<1024x128xf32, #tpu.memory_space<vmem_shared>> -> memref<1024x128xf32, #tpu.memory_space<vmem_shared>>
        tpu.wait_indirect_dma semaphore(%run_scoped3A_291 : memref<!tpu.dma_semaphore, #tpu.memory_space<semaphore_mem>>) src(%dma_wait3A_302 : memref<96x128xf32, #tpu.memory_space<vmem>>) dst(%dma_wait3A_305 : memref<1024x128xf32, #tpu.memory_space<vmem_shared>>)
        tpu.yield
      }) : () -> ()
      %run_scoped3A_244 = arith.constant 0 : i32
      "tpu.region"() ({
        %run_scoped3A_291 = tpu.sem_alloc : memref<!tpu.dma_semaphore, #tpu.memory_space<semaphore_mem>>
        %dma_start3A_292 = arith.constant 0 : i32
        %dma_start3A_293 = arith.constant 0 : i32
        %dma_start3A_294 = tpu.memref_slice %arg7[%run_scoped3A_244, %dma_start3A_292, %dma_start3A_293] : memref<2x96x128xf32, #tpu.memory_space<vmem>> -> memref<1x96x128xf32, #tpu.memory_space<vmem>>
        %dma_start3A_295 = tpu.memref_squeeze %dma_start3A_294 : memref<1x96x128xf32, #tpu.memory_space<vmem>> -> memref<96x128xf32, #tpu.memory_space<vmem>>
        %dma_start3A_296 = arith.constant 0 : i32
        %dma_start3A_297 = arith.constant 0 : i32
        %dma_start3A_298 = tpu.memref_slice %arg14[%dma_start3A_296, %dma_start3A_297] : memref<1024x128xf32, #tpu.memory_space<vmem_shared>> -> memref<1024x128xf32, #tpu.memory_space<vmem_shared>>
        tpu.enqueue_indirect_dma source(%dma_start3A_295 : memref<96x128xf32, #tpu.memory_space<vmem>>) target(%dma_start3A_298 : memref<1024x128xf32, #tpu.memory_space<vmem_shared>>) offsets(%arg8 : memref<96xi32, #tpu.memory_space<vmem>>) semaphore(%run_scoped3A_291 : memref<!tpu.dma_semaphore, #tpu.memory_space<semaphore_mem>>) {add = true}
        %dma_wait3A_299 = arith.constant 0 : i32
        %dma_wait3A_300 = arith.constant 0 : i32
        %dma_wait3A_301 = tpu.memref_slice %arg7[%run_scoped3A_244, %dma_wait3A_299, %dma_wait3A_300] : memref<2x96x128xf32, #tpu.memory_space<vmem>> -> memref<1x96x128xf32, #tpu.memory_space<vmem>>
        %dma_wait3A_302 = tpu.memref_squeeze %dma_wait3A_301 : memref<1x96x128xf32, #tpu.memory_space<vmem>> -> memref<96x128xf32, #tpu.memory_space<vmem>>
        %dma_wait3A_303 = arith.constant 0 : i32
        %dma_wait3A_304 = arith.constant 0 : i32
        %dma_wait3A_305 = tpu.memref_slice %arg14[%dma_wait3A_303, %dma_wait3A_304] : memref<1024x128xf32, #tpu.memory_space<vmem_shared>> -> memref<1024x128xf32, #tpu.memory_space<vmem_shared>>
        tpu.wait_indirect_dma semaphore(%run_scoped3A_291 : memref<!tpu.dma_semaphore, #tpu.memory_space<semaphore_mem>>) src(%dma_wait3A_302 : memref<96x128xf32, #tpu.memory_space<vmem>>) dst(%dma_wait3A_305 : memref<1024x128xf32, #tpu.memory_space<vmem_shared>>)
        tpu.yield
      }) : () -> ()
      %scan3A_245 = arith.constant 0 : i32
      %scan3A_246 = arith.constant 6 : i32
      %scan3A_247 = arith.addi %scan3A_245, %scan3A_246 : i32
      %scan3A_248 = arith.constant 1 : i32
      scf.for %scan3A_291 = %scan3A_245 to %scan3A_247 step %scan3A_248  : i32 {
        %mul3A_292 = arith.constant 1 : i32
        %mul3A_293 = arith.muli %scan3A_291, %mul3A_292 : i32
        %add3A_294 = arith.constant 0 : i32
        %add3A_295 = arith.addi %add3A_294, %mul3A_293 : i32
        %mul3A_296 = arith.constant 16 : i32
        %mul3A_297 = arith.muli %add3A_295, %mul3A_296 : i32
        %get3A = arith.index_cast %mul3A_297 : i32 to index
        %get3A_298 = tpu.vector_load %arg8[%get3A] {strides = array<i32>} : memref<96xi32, #tpu.memory_space<vmem>>, vector<16xi32>,
        tpu.vector_store_idx %arg10[%get3A_298], %broadcast_in_dim3A_1 {add = true} : memref<1024xf32, #tpu.memory_space<vmem>>[vector<16xi32>], vector<16xf32>,
      }
      %scan3A_249 = arith.constant 6 : i32
      %add3A_250 = arith.constant 2 : i32
      %add3A_251 = arith.addi %add3A_184, %add3A_250 : i32
      %lt3A_252 = arith.cmpi slt, %add3A_251, %select_n3A_51 : i32
      %convert_element_type3A_253 = arith.extui %lt3A_252 : i1 to i32
      %cond3A_254 = arith.constant 0 : i32
      %cond3A_255 = arith.cmpi ne, %convert_element_type3A_253, %cond3A_254 : i32
      scf.if %cond3A_255 {
        %add3A_291 = arith.constant 2 : i32
        %add3A_292 = arith.addi %add3A_184, %add3A_291 : i32
        %mul3A_293 = arith.constant 96 : i32
        %mul3A_294 = arith.muli %add3A_292, %mul3A_293 : i32
        %add3A_295 = arith.constant 26000 : i32
        %add3A_296 = arith.addi %add3A_295, %mul3A_294 : i32
        %dma_start3A_297 = arith.constant 0 : i32
        %dma_start3A_298 = arith.constant 0 : i32
        %dma_start3A_299 = arith.constant 0 : i32
        %dma_start3A_300 = tpu.memref_slice %arg6[%dma_start3A_297, %dma_start3A_298, %dma_start3A_299] : memref<2x96x128xf32, #tpu.memory_space<vmem>> -> memref<1x96x128xf32, #tpu.memory_space<vmem>>
        %dma_start3A_301 = tpu.memref_squeeze %dma_start3A_300 : memref<1x96x128xf32, #tpu.memory_space<vmem>> -> memref<96x128xf32, #tpu.memory_space<vmem>>
        %dma_start3A_302 = arith.constant 0 : i32
        %dma_start3A_303 = tpu.memref_slice %arg2[%add3A_296, %dma_start3A_302] : memref<50000x256xf32, #tpu.memory_space<hbm>> -> memref<96x128xf32, #tpu.memory_space<hbm>>
        %dma_start3A_304 = arith.constant 0 : i32
        %dma_start3A_305 = arith.constant 0 : i32
        %dma_start3A_306 = tpu.memref_slice %arg6[%dma_start3A_297, %dma_start3A_304, %dma_start3A_305] : memref<2x96x128xf32, #tpu.memory_space<vmem>> -> memref<1x96x128xf32, #tpu.memory_space<vmem>>
        %dma_start3A_307 = tpu.memref_squeeze %dma_start3A_306 : memref<1x96x128xf32, #tpu.memory_space<vmem>> -> memref<96x128xf32, #tpu.memory_space<vmem>>
        %dma_start3A_308 = arith.constant 0 : i32
        %dma_start3A_309 = tpu.memref_slice %arg2[%add3A_296, %dma_start3A_308] : memref<50000x256xf32, #tpu.memory_space<hbm>> -> memref<96x128xf32, #tpu.memory_space<hbm>>
        tpu.enqueue_dma source(%dma_start3A_309 : memref<96x128xf32, #tpu.memory_space<hbm>>) target(%dma_start3A_307 : memref<96x128xf32, #tpu.memory_space<vmem>>) target_semaphore(%arg15 : memref<!tpu.dma_semaphore, #tpu.memory_space<semaphore_mem>>)
        %dma_start3A_310 = arith.constant 0 : i32
        %dma_start3A_311 = arith.constant 0 : i32
        %dma_start3A_312 = arith.constant 0 : i32
        %dma_start3A_313 = tpu.memref_slice %arg7[%dma_start3A_310, %dma_start3A_311, %dma_start3A_312] : memref<2x96x128xf32, #tpu.memory_space<vmem>> -> memref<1x96x128xf32, #tpu.memory_space<vmem>>
        %dma_start3A_314 = tpu.memref_squeeze %dma_start3A_313 : memref<1x96x128xf32, #tpu.memory_space<vmem>> -> memref<96x128xf32, #tpu.memory_space<vmem>>
        %dma_start3A_315 = arith.constant 128 : i32
        %dma_start3A_316 = tpu.memref_slice %arg2[%add3A_296, %dma_start3A_315] : memref<50000x256xf32, #tpu.memory_space<hbm>> -> memref<96x128xf32, #tpu.memory_space<hbm>>
        %dma_start3A_317 = arith.constant 0 : i32
        %dma_start3A_318 = arith.constant 0 : i32
        %dma_start3A_319 = tpu.memref_slice %arg7[%dma_start3A_310, %dma_start3A_317, %dma_start3A_318] : memref<2x96x128xf32, #tpu.memory_space<vmem>> -> memref<1x96x128xf32, #tpu.memory_space<vmem>>
        %dma_start3A_320 = tpu.memref_squeeze %dma_start3A_319 : memref<1x96x128xf32, #tpu.memory_space<vmem>> -> memref<96x128xf32, #tpu.memory_space<vmem>>
        %dma_start3A_321 = arith.constant 128 : i32
        %dma_start3A_322 = tpu.memref_slice %arg2[%add3A_296, %dma_start3A_321] : memref<50000x256xf32, #tpu.memory_space<hbm>> -> memref<96x128xf32, #tpu.memory_space<hbm>>
        tpu.enqueue_dma source(%dma_start3A_322 : memref<96x128xf32, #tpu.memory_space<hbm>>) target(%dma_start3A_320 : memref<96x128xf32, #tpu.memory_space<vmem>>) target_semaphore(%arg15 : memref<!tpu.dma_semaphore, #tpu.memory_space<semaphore_mem>>)
        %dma_start3A_323 = tpu.memref_slice %arg3[%add3A_296] : memref<50000xi32, #tpu.memory_space<hbm>> -> memref<96xi32, #tpu.memory_space<hbm>>
        %dma_start3A_324 = tpu.memref_slice %arg3[%add3A_296] : memref<50000xi32, #tpu.memory_space<hbm>> -> memref<96xi32, #tpu.memory_space<hbm>>
        tpu.enqueue_dma source(%dma_start3A_324 : memref<96xi32, #tpu.memory_space<hbm>>) target(%arg8 : memref<96xi32, #tpu.memory_space<vmem>>) target_semaphore(%arg15 : memref<!tpu.dma_semaphore, #tpu.memory_space<semaphore_mem>>)
      } else {
      }
      %dma_wait3A_256 = arith.constant 1 : i32
      %dma_wait3A_257 = arith.constant 0 : i32
      %dma_wait3A_258 = arith.constant 0 : i32
      %dma_wait3A_259 = tpu.memref_slice %arg6[%dma_wait3A_256, %dma_wait3A_257, %dma_wait3A_258] : memref<2x96x128xf32, #tpu.memory_space<vmem>> -> memref<1x96x128xf32, #tpu.memory_space<vmem>>
      %dma_wait3A_260 = tpu.memref_squeeze %dma_wait3A_259 : memref<1x96x128xf32, #tpu.memory_space<vmem>> -> memref<96x128xf32, #tpu.memory_space<vmem>>
      %dma_wait3A_261 = arith.constant 0 : i32
      %dma_wait3A_262 = tpu.memref_slice %arg2[%add3A_190, %dma_wait3A_261] : memref<50000x256xf32, #tpu.memory_space<hbm>> -> memref<96x128xf32, #tpu.memory_space<hbm>>
      %dma_wait3A_263 = arith.constant 0 : i32
      %dma_wait3A_264 = arith.constant 0 : i32
      %dma_wait3A_265 = tpu.memref_slice %arg6[%dma_wait3A_256, %dma_wait3A_263, %dma_wait3A_264] : memref<2x96x128xf32, #tpu.memory_space<vmem>> -> memref<1x96x128xf32, #tpu.memory_space<vmem>>
      %dma_wait3A_266 = tpu.memref_squeeze %dma_wait3A_265 : memref<1x96x128xf32, #tpu.memory_space<vmem>> -> memref<96x128xf32, #tpu.memory_space<vmem>>
      %dma_wait3A_267 = arith.constant 0 : i32
      %dma_wait3A_268 = tpu.memref_slice %arg2[%add3A_190, %dma_wait3A_267] : memref<50000x256xf32, #tpu.memory_space<hbm>> -> memref<96x128xf32, #tpu.memory_space<hbm>>
      tpu.wait_dma2 semaphore(%arg16 : memref<!tpu.dma_semaphore, #tpu.memory_space<semaphore_mem>>) src(%dma_wait3A_268 : memref<96x128xf32, #tpu.memory_space<hbm>>) dst(%dma_wait3A_266 : memref<96x128xf32, #tpu.memory_space<vmem>>)
      %dma_wait3A_269 = arith.constant 1 : i32
      %dma_wait3A_270 = arith.constant 0 : i32
      %dma_wait3A_271 = arith.constant 0 : i32
      %dma_wait3A_272 = tpu.memref_slice %arg7[%dma_wait3A_269, %dma_wait3A_270, %dma_wait3A_271] : memref<2x96x128xf32, #tpu.memory_space<vmem>> -> memref<1x96x128xf32, #tpu.memory_space<vmem>>
      %dma_wait3A_273 = tpu.memref_squeeze %dma_wait3A_272 : memref<1x96x128xf32, #tpu.memory_space<vmem>> -> memref<96x128xf32, #tpu.memory_space<vmem>>
      %dma_wait3A_274 = arith.constant 128 : i32
      %dma_wait3A_275 = tpu.memref_slice %arg2[%add3A_190, %dma_wait3A_274] : memref<50000x256xf32, #tpu.memory_space<hbm>> -> memref<96x128xf32, #tpu.memory_space<hbm>>
      %dma_wait3A_276 = arith.constant 0 : i32
      %dma_wait3A_277 = arith.constant 0 : i32
      %dma_wait3A_278 = tpu.memref_slice %arg7[%dma_wait3A_269, %dma_wait3A_276, %dma_wait3A_277] : memref<2x96x128xf32, #tpu.memory_space<vmem>> -> memref<1x96x128xf32, #tpu.memory_space<vmem>>
      %dma_wait3A_279 = tpu.memref_squeeze %dma_wait3A_278 : memref<1x96x128xf32, #tpu.memory_space<vmem>> -> memref<96x128xf32, #tpu.memory_space<vmem>>
      %dma_wait3A_280 = arith.constant 128 : i32
      %dma_wait3A_281 = tpu.memref_slice %arg2[%add3A_190, %dma_wait3A_280] : memref<50000x256xf32, #tpu.memory_space<hbm>> -> memref<96x128xf32, #tpu.memory_space<hbm>>
      tpu.wait_dma2 semaphore(%arg16 : memref<!tpu.dma_semaphore, #tpu.memory_space<semaphore_mem>>) src(%dma_wait3A_281 : memref<96x128xf32, #tpu.memory_space<hbm>>) dst(%dma_wait3A_279 : memref<96x128xf32, #tpu.memory_space<vmem>>)
      %dma_wait3A_282 = tpu.memref_slice %arg3[%add3A_190] : memref<50000xi32, #tpu.memory_space<hbm>> -> memref<96xi32, #tpu.memory_space<hbm>>
      %dma_wait3A_283 = tpu.memref_slice %arg3[%add3A_190] : memref<50000xi32, #tpu.memory_space<hbm>> -> memref<96xi32, #tpu.memory_space<hbm>>
      tpu.wait_dma2 semaphore(%arg16 : memref<!tpu.dma_semaphore, #tpu.memory_space<semaphore_mem>>) src(%dma_wait3A_283 : memref<96xi32, #tpu.memory_space<hbm>>) dst(%arg9 : memref<96xi32, #tpu.memory_space<vmem>>)
      %run_scoped3A_284 = arith.constant 1 : i32
      "tpu.region"() ({
        %run_scoped3A_291 = tpu.sem_alloc : memref<!tpu.dma_semaphore, #tpu.memory_space<semaphore_mem>>
        %dma_start3A_292 = arith.constant 0 : i32
        %dma_start3A_293 = arith.constant 0 : i32
        %dma_start3A_294 = tpu.memref_slice %arg6[%run_scoped3A_284, %dma_start3A_292, %dma_start3A_293] : memref<2x96x128xf32, #tpu.memory_space<vmem>> -> memref<1x96x128xf32, #tpu.memory_space<vmem>>
        %dma_start3A_295 = tpu.memref_squeeze %dma_start3A_294 : memref<1x96x128xf32, #tpu.memory_space<vmem>> -> memref<96x128xf32, #tpu.memory_space<vmem>>
        %dma_start3A_296 = arith.constant 0 : i32
        %dma_start3A_297 = arith.constant 0 : i32
        %dma_start3A_298 = tpu.memref_slice %arg13[%dma_start3A_296, %dma_start3A_297] : memref<1024x128xf32, #tpu.memory_space<vmem_shared>> -> memref<1024x128xf32, #tpu.memory_space<vmem_shared>>
        tpu.enqueue_indirect_dma source(%dma_start3A_295 : memref<96x128xf32, #tpu.memory_space<vmem>>) target(%dma_start3A_298 : memref<1024x128xf32, #tpu.memory_space<vmem_shared>>) offsets(%arg9 : memref<96xi32, #tpu.memory_space<vmem>>) semaphore(%run_scoped3A_291 : memref<!tpu.dma_semaphore, #tpu.memory_space<semaphore_mem>>) {add = true}
        %dma_wait3A_299 = arith.constant 0 : i32
        %dma_wait3A_300 = arith.constant 0 : i32
        %dma_wait3A_301 = tpu.memref_slice %arg6[%run_scoped3A_284, %dma_wait3A_299, %dma_wait3A_300] : memref<2x96x128xf32, #tpu.memory_space<vmem>> -> memref<1x96x128xf32, #tpu.memory_space<vmem>>
        %dma_wait3A_302 = tpu.memref_squeeze %dma_wait3A_301 : memref<1x96x128xf32, #tpu.memory_space<vmem>> -> memref<96x128xf32, #tpu.memory_space<vmem>>
        %dma_wait3A_303 = arith.constant 0 : i32
        %dma_wait3A_304 = arith.constant 0 : i32
        %dma_wait3A_305 = tpu.memref_slice %arg13[%dma_wait3A_303, %dma_wait3A_304] : memref<1024x128xf32, #tpu.memory_space<vmem_shared>> -> memref<1024x128xf32, #tpu.memory_space<vmem_shared>>
        tpu.wait_indirect_dma semaphore(%run_scoped3A_291 : memref<!tpu.dma_semaphore, #tpu.memory_space<semaphore_mem>>) src(%dma_wait3A_302 : memref<96x128xf32, #tpu.memory_space<vmem>>) dst(%dma_wait3A_305 : memref<1024x128xf32, #tpu.memory_space<vmem_shared>>)
        tpu.yield
      }) : () -> ()
      %run_scoped3A_285 = arith.constant 1 : i32
      "tpu.region"() ({
        %run_scoped3A_291 = tpu.sem_alloc : memref<!tpu.dma_semaphore, #tpu.memory_space<semaphore_mem>>
        %dma_start3A_292 = arith.constant 0 : i32
        %dma_start3A_293 = arith.constant 0 : i32
        %dma_start3A_294 = tpu.memref_slice %arg7[%run_scoped3A_285, %dma_start3A_292, %dma_start3A_293] : memref<2x96x128xf32, #tpu.memory_space<vmem>> -> memref<1x96x128xf32, #tpu.memory_space<vmem>>
        %dma_start3A_295 = tpu.memref_squeeze %dma_start3A_294 : memref<1x96x128xf32, #tpu.memory_space<vmem>> -> memref<96x128xf32, #tpu.memory_space<vmem>>
        %dma_start3A_296 = arith.constant 0 : i32
        %dma_start3A_297 = arith.constant 0 : i32
        %dma_start3A_298 = tpu.memref_slice %arg14[%dma_start3A_296, %dma_start3A_297] : memref<1024x128xf32, #tpu.memory_space<vmem_shared>> -> memref<1024x128xf32, #tpu.memory_space<vmem_shared>>
        tpu.enqueue_indirect_dma source(%dma_start3A_295 : memref<96x128xf32, #tpu.memory_space<vmem>>) target(%dma_start3A_298 : memref<1024x128xf32, #tpu.memory_space<vmem_shared>>) offsets(%arg9 : memref<96xi32, #tpu.memory_space<vmem>>) semaphore(%run_scoped3A_291 : memref<!tpu.dma_semaphore, #tpu.memory_space<semaphore_mem>>) {add = true}
        %dma_wait3A_299 = arith.constant 0 : i32
        %dma_wait3A_300 = arith.constant 0 : i32
        %dma_wait3A_301 = tpu.memref_slice %arg7[%run_scoped3A_285, %dma_wait3A_299, %dma_wait3A_300] : memref<2x96x128xf32, #tpu.memory_space<vmem>> -> memref<1x96x128xf32, #tpu.memory_space<vmem>>
        %dma_wait3A_302 = tpu.memref_squeeze %dma_wait3A_301 : memref<1x96x128xf32, #tpu.memory_space<vmem>> -> memref<96x128xf32, #tpu.memory_space<vmem>>
        %dma_wait3A_303 = arith.constant 0 : i32
        %dma_wait3A_304 = arith.constant 0 : i32
        %dma_wait3A_305 = tpu.memref_slice %arg14[%dma_wait3A_303, %dma_wait3A_304] : memref<1024x128xf32, #tpu.memory_space<vmem_shared>> -> memref<1024x128xf32, #tpu.memory_space<vmem_shared>>
        tpu.wait_indirect_dma semaphore(%run_scoped3A_291 : memref<!tpu.dma_semaphore, #tpu.memory_space<semaphore_mem>>) src(%dma_wait3A_302 : memref<96x128xf32, #tpu.memory_space<vmem>>) dst(%dma_wait3A_305 : memref<1024x128xf32, #tpu.memory_space<vmem_shared>>)
        tpu.yield
      }) : () -> ()
      %scan3A_286 = arith.constant 0 : i32
      %scan3A_287 = arith.constant 6 : i32
      %scan3A_288 = arith.addi %scan3A_286, %scan3A_287 : i32
      %scan3A_289 = arith.constant 1 : i32
      scf.for %scan3A_291 = %scan3A_286 to %scan3A_288 step %scan3A_289  : i32 {
        %mul3A_292 = arith.constant 1 : i32
        %mul3A_293 = arith.muli %scan3A_291, %mul3A_292 : i32
        %add3A_294 = arith.constant 0 : i32
        %add3A_295 = arith.addi %add3A_294, %mul3A_293 : i32
        %mul3A_296 = arith.constant 16 : i32
        %mul3A_297 = arith.muli %add3A_295, %mul3A_296 : i32
        %get3A = arith.index_cast %mul3A_297 : i32 to index
        %get3A_298 = tpu.vector_load %arg9[%get3A] {strides = array<i32>} : memref<96xi32, #tpu.memory_space<vmem>>, vector<16xi32>,
        tpu.vector_store_idx %arg10[%get3A_298], %broadcast_in_dim3A_1 {add = true} : memref<1024xf32, #tpu.memory_space<vmem>>[vector<16xi32>], vector<16xf32>,
      }
      %scan3A_290 = arith.constant 6 : i32
    }
    %mul3A_169 = arith.constant 2 : i32
    %mul3A_170 = arith.muli %mul3A_169, %select_n3A_147 : i32
    %add3A_171 = arith.addi %select_n3A, %mul3A_170 : i32
    %lt3A_172 = arith.cmpi slt, %add3A_171, %select_n3A_51 : i32
    %convert_element_type3A_173 = arith.extui %lt3A_172 : i1 to i32
    %cond3A_174 = arith.constant 0 : i32
    %cond3A_175 = arith.constant 0 : i32
    %cond3A_176 = arith.constant 0 : i32
    %cond3A_177 = arith.cmpi ne, %convert_element_type3A_173, %cond3A_176 : i32
    scf.if %cond3A_177 {
      %dma_wait3A = arith.constant 0 : i32
      %dma_wait3A_179 = arith.constant 0 : i32
      %dma_wait3A_180 = tpu.memref_slice %arg6[%cond3A_174, %dma_wait3A, %dma_wait3A_179] : memref<2x96x128xf32, #tpu.memory_space<vmem>> -> memref<1x96x128xf32, #tpu.memory_space<vmem>>
      %dma_wait3A_181 = tpu.memref_squeeze %dma_wait3A_180 : memref<1x96x128xf32, #tpu.memory_space<vmem>> -> memref<96x128xf32, #tpu.memory_space<vmem>>
      %dma_wait3A_182 = arith.constant 0 : i32
      %dma_wait3A_183 = tpu.memref_slice %arg2[%add3A_56, %dma_wait3A_182] : memref<50000x256xf32, #tpu.memory_space<hbm>> -> memref<96x128xf32, #tpu.memory_space<hbm>>
      %dma_wait3A_184 = arith.constant 0 : i32
      %dma_wait3A_185 = arith.constant 0 : i32
      %dma_wait3A_186 = tpu.memref_slice %arg6[%cond3A_174, %dma_wait3A_184, %dma_wait3A_185] : memref<2x96x128xf32, #tpu.memory_space<vmem>> -> memref<1x96x128xf32, #tpu.memory_space<vmem>>
      %dma_wait3A_187 = tpu.memref_squeeze %dma_wait3A_186 : memref<1x96x128xf32, #tpu.memory_space<vmem>> -> memref<96x128xf32, #tpu.memory_space<vmem>>
      %dma_wait3A_188 = arith.constant 0 : i32
      %dma_wait3A_189 = tpu.memref_slice %arg2[%add3A_56, %dma_wait3A_188] : memref<50000x256xf32, #tpu.memory_space<hbm>> -> memref<96x128xf32, #tpu.memory_space<hbm>>
      tpu.wait_dma2 semaphore(%arg15 : memref<!tpu.dma_semaphore, #tpu.memory_space<semaphore_mem>>) src(%dma_wait3A_189 : memref<96x128xf32, #tpu.memory_space<hbm>>) dst(%dma_wait3A_187 : memref<96x128xf32, #tpu.memory_space<vmem>>)
      %dma_wait3A_190 = arith.constant 0 : i32
      %dma_wait3A_191 = arith.constant 0 : i32
      %dma_wait3A_192 = tpu.memref_slice %arg7[%cond3A_175, %dma_wait3A_190, %dma_wait3A_191] : memref<2x96x128xf32, #tpu.memory_space<vmem>> -> memref<1x96x128xf32, #tpu.memory_space<vmem>>
      %dma_wait3A_193 = tpu.memref_squeeze %dma_wait3A_192 : memref<1x96x128xf32, #tpu.memory_space<vmem>> -> memref<96x128xf32, #tpu.memory_space<vmem>>
      %dma_wait3A_194 = arith.constant 128 : i32
      %dma_wait3A_195 = tpu.memref_slice %arg2[%add3A_56, %dma_wait3A_194] : memref<50000x256xf32, #tpu.memory_space<hbm>> -> memref<96x128xf32, #tpu.memory_space<hbm>>
      %dma_wait3A_196 = arith.constant 0 : i32
      %dma_wait3A_197 = arith.constant 0 : i32
      %dma_wait3A_198 = tpu.memref_slice %arg7[%cond3A_175, %dma_wait3A_196, %dma_wait3A_197] : memref<2x96x128xf32, #tpu.memory_space<vmem>> -> memref<1x96x128xf32, #tpu.memory_space<vmem>>
      %dma_wait3A_199 = tpu.memref_squeeze %dma_wait3A_198 : memref<1x96x128xf32, #tpu.memory_space<vmem>> -> memref<96x128xf32, #tpu.memory_space<vmem>>
      %dma_wait3A_200 = arith.constant 128 : i32
      %dma_wait3A_201 = tpu.memref_slice %arg2[%add3A_56, %dma_wait3A_200] : memref<50000x256xf32, #tpu.memory_space<hbm>> -> memref<96x128xf32, #tpu.memory_space<hbm>>
      tpu.wait_dma2 semaphore(%arg15 : memref<!tpu.dma_semaphore, #tpu.memory_space<semaphore_mem>>) src(%dma_wait3A_201 : memref<96x128xf32, #tpu.memory_space<hbm>>) dst(%dma_wait3A_199 : memref<96x128xf32, #tpu.memory_space<vmem>>)
      %dma_wait3A_202 = tpu.memref_slice %arg3[%add3A_56] : memref<50000xi32, #tpu.memory_space<hbm>> -> memref<96xi32, #tpu.memory_space<hbm>>
      %dma_wait3A_203 = tpu.memref_slice %arg3[%add3A_56] : memref<50000xi32, #tpu.memory_space<hbm>> -> memref<96xi32, #tpu.memory_space<hbm>>
      tpu.wait_dma2 semaphore(%arg15 : memref<!tpu.dma_semaphore, #tpu.memory_space<semaphore_mem>>) src(%dma_wait3A_203 : memref<96xi32, #tpu.memory_space<hbm>>) dst(%arg8 : memref<96xi32, #tpu.memory_space<vmem>>)
      %run_scoped3A = arith.constant 0 : i32
      "tpu.region"() ({
        %run_scoped3A_210 = tpu.sem_alloc : memref<!tpu.dma_semaphore, #tpu.memory_space<semaphore_mem>>
        %dma_start3A_211 = arith.constant 0 : i32
        %dma_start3A_212 = arith.constant 0 : i32
        %dma_start3A_213 = tpu.memref_slice %arg6[%run_scoped3A, %dma_start3A_211, %dma_start3A_212] : memref<2x96x128xf32, #tpu.memory_space<vmem>> -> memref<1x96x128xf32, #tpu.memory_space<vmem>>
        %dma_start3A_214 = tpu.memref_squeeze %dma_start3A_213 : memref<1x96x128xf32, #tpu.memory_space<vmem>> -> memref<96x128xf32, #tpu.memory_space<vmem>>
        %dma_start3A_215 = arith.constant 0 : i32
        %dma_start3A_216 = arith.constant 0 : i32
        %dma_start3A_217 = tpu.memref_slice %arg13[%dma_start3A_215, %dma_start3A_216] : memref<1024x128xf32, #tpu.memory_space<vmem_shared>> -> memref<1024x128xf32, #tpu.memory_space<vmem_shared>>
        tpu.enqueue_indirect_dma source(%dma_start3A_214 : memref<96x128xf32, #tpu.memory_space<vmem>>) target(%dma_start3A_217 : memref<1024x128xf32, #tpu.memory_space<vmem_shared>>) offsets(%arg8 : memref<96xi32, #tpu.memory_space<vmem>>) semaphore(%run_scoped3A_210 : memref<!tpu.dma_semaphore, #tpu.memory_space<semaphore_mem>>) {add = true}
        %dma_wait3A_218 = arith.constant 0 : i32
        %dma_wait3A_219 = arith.constant 0 : i32
        %dma_wait3A_220 = tpu.memref_slice %arg6[%run_scoped3A, %dma_wait3A_218, %dma_wait3A_219] : memref<2x96x128xf32, #tpu.memory_space<vmem>> -> memref<1x96x128xf32, #tpu.memory_space<vmem>>
        %dma_wait3A_221 = tpu.memref_squeeze %dma_wait3A_220 : memref<1x96x128xf32, #tpu.memory_space<vmem>> -> memref<96x128xf32, #tpu.memory_space<vmem>>
        %dma_wait3A_222 = arith.constant 0 : i32
        %dma_wait3A_223 = arith.constant 0 : i32
        %dma_wait3A_224 = tpu.memref_slice %arg13[%dma_wait3A_222, %dma_wait3A_223] : memref<1024x128xf32, #tpu.memory_space<vmem_shared>> -> memref<1024x128xf32, #tpu.memory_space<vmem_shared>>
        tpu.wait_indirect_dma semaphore(%run_scoped3A_210 : memref<!tpu.dma_semaphore, #tpu.memory_space<semaphore_mem>>) src(%dma_wait3A_221 : memref<96x128xf32, #tpu.memory_space<vmem>>) dst(%dma_wait3A_224 : memref<1024x128xf32, #tpu.memory_space<vmem_shared>>)
        tpu.yield
      }) : () -> ()
      %run_scoped3A_204 = arith.constant 0 : i32
      "tpu.region"() ({
        %run_scoped3A_210 = tpu.sem_alloc : memref<!tpu.dma_semaphore, #tpu.memory_space<semaphore_mem>>
        %dma_start3A_211 = arith.constant 0 : i32
        %dma_start3A_212 = arith.constant 0 : i32
        %dma_start3A_213 = tpu.memref_slice %arg7[%run_scoped3A_204, %dma_start3A_211, %dma_start3A_212] : memref<2x96x128xf32, #tpu.memory_space<vmem>> -> memref<1x96x128xf32, #tpu.memory_space<vmem>>
        %dma_start3A_214 = tpu.memref_squeeze %dma_start3A_213 : memref<1x96x128xf32, #tpu.memory_space<vmem>> -> memref<96x128xf32, #tpu.memory_space<vmem>>
        %dma_start3A_215 = arith.constant 0 : i32
        %dma_start3A_216 = arith.constant 0 : i32
        %dma_start3A_217 = tpu.memref_slice %arg14[%dma_start3A_215, %dma_start3A_216] : memref<1024x128xf32, #tpu.memory_space<vmem_shared>> -> memref<1024x128xf32, #tpu.memory_space<vmem_shared>>
        tpu.enqueue_indirect_dma source(%dma_start3A_214 : memref<96x128xf32, #tpu.memory_space<vmem>>) target(%dma_start3A_217 : memref<1024x128xf32, #tpu.memory_space<vmem_shared>>) offsets(%arg8 : memref<96xi32, #tpu.memory_space<vmem>>) semaphore(%run_scoped3A_210 : memref<!tpu.dma_semaphore, #tpu.memory_space<semaphore_mem>>) {add = true}
        %dma_wait3A_218 = arith.constant 0 : i32
        %dma_wait3A_219 = arith.constant 0 : i32
        %dma_wait3A_220 = tpu.memref_slice %arg7[%run_scoped3A_204, %dma_wait3A_218, %dma_wait3A_219] : memref<2x96x128xf32, #tpu.memory_space<vmem>> -> memref<1x96x128xf32, #tpu.memory_space<vmem>>
        %dma_wait3A_221 = tpu.memref_squeeze %dma_wait3A_220 : memref<1x96x128xf32, #tpu.memory_space<vmem>> -> memref<96x128xf32, #tpu.memory_space<vmem>>
        %dma_wait3A_222 = arith.constant 0 : i32
        %dma_wait3A_223 = arith.constant 0 : i32
        %dma_wait3A_224 = tpu.memref_slice %arg14[%dma_wait3A_222, %dma_wait3A_223] : memref<1024x128xf32, #tpu.memory_space<vmem_shared>> -> memref<1024x128xf32, #tpu.memory_space<vmem_shared>>
        tpu.wait_indirect_dma semaphore(%run_scoped3A_210 : memref<!tpu.dma_semaphore, #tpu.memory_space<semaphore_mem>>) src(%dma_wait3A_221 : memref<96x128xf32, #tpu.memory_space<vmem>>) dst(%dma_wait3A_224 : memref<1024x128xf32, #tpu.memory_space<vmem_shared>>)
        tpu.yield
      }) : () -> ()
      %scan3A_205 = arith.constant 0 : i32
      %scan3A_206 = arith.constant 6 : i32
      %scan3A_207 = arith.addi %scan3A_205, %scan3A_206 : i32
      %scan3A_208 = arith.constant 1 : i32
      scf.for %scan3A_210 = %scan3A_205 to %scan3A_207 step %scan3A_208  : i32 {
        %mul3A_211 = arith.constant 1 : i32
        %mul3A_212 = arith.muli %scan3A_210, %mul3A_211 : i32
        %add3A_213 = arith.constant 0 : i32
        %add3A_214 = arith.addi %add3A_213, %mul3A_212 : i32
        %mul3A_215 = arith.constant 16 : i32
        %mul3A_216 = arith.muli %add3A_214, %mul3A_215 : i32
        %get3A = arith.index_cast %mul3A_216 : i32 to index
        %get3A_217 = tpu.vector_load %arg8[%get3A] {strides = array<i32>} : memref<96xi32, #tpu.memory_space<vmem>>, vector<16xi32>,
        tpu.vector_store_idx %arg10[%get3A_217], %broadcast_in_dim3A_1 {add = true} : memref<1024xf32, #tpu.memory_space<vmem>>[vector<16xi32>], vector<16xf32>,
      }
      %scan3A_209 = arith.constant 6 : i32
    } else {
    }
    "tpu.region"() ({
      %run_scoped3A = tpu.sem_alloc : memref<!tpu.dma_semaphore, #tpu.memory_space<semaphore_mem>>
      %dma_start3A_179 = arith.constant 0 : i32
      %dma_start3A_180 = tpu.memref_slice %arg5[%add3A, %dma_start3A_179] : memref<32x1024xf32, #tpu.memory_space<hbm>> -> memref<1x1024xf32, #tpu.memory_space<hbm>>
      %dma_start3A_181 = tpu.memref_squeeze %dma_start3A_180 : memref<1x1024xf32, #tpu.memory_space<hbm>> -> memref<1024xf32, #tpu.memory_space<hbm>>
      %dma_start3A_182 = arith.constant 0 : i32
      %dma_start3A_183 = tpu.memref_slice %arg5[%add3A, %dma_start3A_182] : memref<32x1024xf32, #tpu.memory_space<hbm>> -> memref<1x1024xf32, #tpu.memory_space<hbm>>
      %dma_start3A_184 = tpu.memref_squeeze %dma_start3A_183 : memref<1x1024xf32, #tpu.memory_space<hbm>> -> memref<1024xf32, #tpu.memory_space<hbm>>
      tpu.enqueue_dma source(%arg10 : memref<1024xf32, #tpu.memory_space<vmem>>) target(%dma_start3A_184 : memref<1024xf32, #tpu.memory_space<hbm>>) target_semaphore(%run_scoped3A : memref<!tpu.dma_semaphore, #tpu.memory_space<semaphore_mem>>)
      %dma_wait3A = arith.constant 0 : i32
      %dma_wait3A_185 = tpu.memref_slice %arg5[%add3A, %dma_wait3A] : memref<32x1024xf32, #tpu.memory_space<hbm>> -> memref<1x1024xf32, #tpu.memory_space<hbm>>
      %dma_wait3A_186 = tpu.memref_squeeze %dma_wait3A_185 : memref<1x1024xf32, #tpu.memory_space<hbm>> -> memref<1024xf32, #tpu.memory_space<hbm>>
      %dma_wait3A_187 = arith.constant 0 : i32
      %dma_wait3A_188 = tpu.memref_slice %arg5[%add3A, %dma_wait3A_187] : memref<32x1024xf32, #tpu.memory_space<hbm>> -> memref<1x1024xf32, #tpu.memory_space<hbm>>
      %dma_wait3A_189 = tpu.memref_squeeze %dma_wait3A_188 : memref<1x1024xf32, #tpu.memory_space<hbm>> -> memref<1024xf32, #tpu.memory_space<hbm>>
      tpu.wait_dma2 semaphore(%run_scoped3A : memref<!tpu.dma_semaphore, #tpu.memory_space<semaphore_mem>>) src(%arg10 : memref<1024xf32, #tpu.memory_space<vmem>>) dst(%dma_wait3A_189 : memref<1024xf32, #tpu.memory_space<hbm>>)
      tpu.yield
    }) : () -> ()
    %barrier3A_178 = arith.constant 0 : index
    tpu.barrier barrier_id(%barrier3A_178)
    "tpu.region"() ({
      %run_scoped3A = tpu.sem_alloc : memref<!tpu.dma_semaphore, #tpu.memory_space<semaphore_mem>>
      %dma_start3A_179 = arith.constant 0 : i32
      %dma_start3A_180 = tpu.memref_slice %arg4[%arg0, %mul3A_5, %dma_start3A_179] : memref<2x1024x256xf32, #tpu.memory_space<hbm>> -> memref<1x64x128xf32, #tpu.memory_space<hbm>>
      %dma_start3A_181 = tpu.memref_squeeze %dma_start3A_180 : memref<1x64x128xf32, #tpu.memory_space<hbm>> -> memref<64x128xf32, #tpu.memory_space<hbm>>
      %dma_start3A_182 = arith.constant 0 : i32
      %dma_start3A_183 = tpu.memref_slice %arg13[%mul3A_5, %dma_start3A_182] : memref<1024x128xf32, #tpu.memory_space<vmem_shared>> -> memref<64x128xf32, #tpu.memory_space<vmem_shared>>
      tpu.enqueue_dma source(%dma_start3A_183 : memref<64x128xf32, #tpu.memory_space<vmem_shared>>) target(%dma_start3A_181 : memref<64x128xf32, #tpu.memory_space<hbm>>) target_semaphore(%run_scoped3A : memref<!tpu.dma_semaphore, #tpu.memory_space<semaphore_mem>>)
      %dma_wait3A = arith.constant 0 : i32
      %dma_wait3A_184 = tpu.memref_slice %arg4[%arg0, %mul3A_5, %dma_wait3A] : memref<2x1024x256xf32, #tpu.memory_space<hbm>> -> memref<1x64x128xf32, #tpu.memory_space<hbm>>
      %dma_wait3A_185 = tpu.memref_squeeze %dma_wait3A_184 : memref<1x64x128xf32, #tpu.memory_space<hbm>> -> memref<64x128xf32, #tpu.memory_space<hbm>>
      %dma_wait3A_186 = arith.constant 0 : i32
      %dma_wait3A_187 = tpu.memref_slice %arg13[%mul3A_5, %dma_wait3A_186] : memref<1024x128xf32, #tpu.memory_space<vmem_shared>> -> memref<64x128xf32, #tpu.memory_space<vmem_shared>>
      tpu.wait_dma2 semaphore(%run_scoped3A : memref<!tpu.dma_semaphore, #tpu.memory_space<semaphore_mem>>) src(%dma_wait3A_187 : memref<64x128xf32, #tpu.memory_space<vmem_shared>>) dst(%dma_wait3A_185 : memref<64x128xf32, #tpu.memory_space<hbm>>)
      tpu.yield
    }) : () -> ()
    "tpu.region"() ({
      %run_scoped3A = tpu.sem_alloc : memref<!tpu.dma_semaphore, #tpu.memory_space<semaphore_mem>>
      %dma_start3A_179 = arith.constant 128 : i32
      %dma_start3A_180 = tpu.memref_slice %arg4[%arg0, %mul3A_5, %dma_start3A_179] : memref<2x1024x256xf32, #tpu.memory_space<hbm>> -> memref<1x64x128xf32, #tpu.memory_space<hbm>>
      %dma_start3A_181 = tpu.memref_squeeze %dma_start3A_180 : memref<1x64x128xf32, #tpu.memory_space<hbm>> -> memref<64x128xf32, #tpu.memory_space<hbm>>
      %dma_start3A_182 = arith.constant 0 : i32
      %dma_start3A_183 = tpu.memref_slice %arg14[%mul3A_5, %dma_start3A_182] : memref<1024x128xf32, #tpu.memory_space<vmem_shared>> -> memref<64x128xf32, #tpu.memory_space<vmem_shared>>
      tpu.enqueue_dma source(%dma_start3A_183 : memref<64x128xf32, #tpu.memory_space<vmem_shared>>) target(%dma_start3A_181 : memref<64x128xf32, #tpu.memory_space<hbm>>) target_semaphore(%run_scoped3A : memref<!tpu.dma_semaphore, #tpu.memory_space<semaphore_mem>>)
      %dma_wait3A = arith.constant 128 : i32
      %dma_wait3A_184 = tpu.memref_slice %arg4[%arg0, %mul3A_5, %dma_wait3A] : memref<2x1024x256xf32, #tpu.memory_space<hbm>> -> memref<1x64x128xf32, #tpu.memory_space<hbm>>
      %dma_wait3A_185 = tpu.memref_squeeze %dma_wait3A_184 : memref<1x64x128xf32, #tpu.memory_space<hbm>> -> memref<64x128xf32, #tpu.memory_space<hbm>>
      %dma_wait3A_186 = arith.constant 0 : i32
      %dma_wait3A_187 = tpu.memref_slice %arg14[%mul3A_5, %dma_wait3A_186] : memref<1024x128xf32, #tpu.memory_space<vmem_shared>> -> memref<64x128xf32, #tpu.memory_space<vmem_shared>>
      tpu.wait_dma2 semaphore(%run_scoped3A : memref<!tpu.dma_semaphore, #tpu.memory_space<semaphore_mem>>) src(%dma_wait3A_187 : memref<64x128xf32, #tpu.memory_space<vmem_shared>>) dst(%dma_wait3A_185 : memref<64x128xf32, #tpu.memory_space<hbm>>)
      tpu.yield
    }) : () -> ()
    return
  }
}

module attributes {stable_mosaic.version = 14 : i64} {
  func.func @_sums_body(%arg0: i32, %arg1: memref<1x1x2000xi32, #tpu.memory_space<vmem>>, %arg2: memref<2000x256xf32, #tpu.memory_space<vmem>>, %arg3: memref<1024x256xf32, #tpu.memory_space<vmem>>) attributes {dimension_semantics = [#tpu.dimension_semantics<arbitrary>], iteration_bounds = array<i64: 13>, scalar_prefetch = 0 : i64, scratch_operands = 0 : i64, tpu.core_type = #tpu.core_type<tc>, window_params = [{transform_indices = @transform_0, window_bounds = array<i64: 1, 1, 2000>}, {transform_indices = @transform_1, window_bounds = array<i64: 2000, 256>}, {pipeline_mode = #tpu.pipeline_mode<synchronous>, transform_indices = @transform_2, window_bounds = array<i64: 1024, 256>}]} {
    %get3A = arith.constant 0 : index
    %get3A_0 = arith.constant 0 : index
    %get3A_1 = arith.constant 0 : index
    %get3A_2 = vector.load %arg1[%get3A, %get3A_0, %get3A_1] : memref<1x1x2000xi32, #tpu.memory_space<vmem>>, vector<1x1x2000xi32>
    %get3A_3 = vector.shape_cast %get3A_2 : vector<1x1x2000xi32> to vector<2000xi32>
    %iota3A = tpu.iota {dimensions = array<i32: 0>} : vector<1024x2000xi32>
    %broadcast_in_dim3A = vector.shape_cast %get3A_3 : vector<2000xi32> to vector<1x2000xi32>
    %eq3A = vector.broadcast %broadcast_in_dim3A : vector<1x2000xi32> to vector<1024x2000xi32>
    %eq3A_4 = arith.cmpi eq, %iota3A, %eq3A : vector<1024x2000xi32>
    %convert_element_type3A = arith.extui %eq3A_4 : vector<1024x2000xi1> to vector<1024x2000xi32>
    %convert_element_type3A_5 = arith.sitofp %convert_element_type3A : vector<1024x2000xi32> to vector<1024x2000xf32>
    %convert_element_type3A_6 = arith.truncf %convert_element_type3A_5 : vector<1024x2000xf32> to vector<1024x2000xbf16>
    %get3A_7 = arith.constant 0 : index
    %get3A_8 = arith.constant 0 : index
    %get3A_9 = vector.load %arg2[%get3A_7, %get3A_8] : memref<2000x256xf32, #tpu.memory_space<vmem>>, vector<2000x256xf32>
    %convert_element_type3A_10 = arith.truncf %get3A_9 : vector<2000x256xf32> to vector<2000x256xbf16>
    %dot_general3A = arith.constant dense<0.000000e+00> : vector<1024x256xf32>
    %dot_general3A_11 = tpu.matmul %convert_element_type3A_6, %convert_element_type3A_10, %dot_general3A {dimension_numbers = #tpu.dot_dimension_numbers<[1], [0], [0], [1], [0, 0, 1, 1], [], []>, transpose_lhs_hint = false} : vector<1024x2000xbf16>, vector<2000x256xbf16>, vector<1024x256xf32> -> vector<1024x256xf32>
    %eq3A_12 = arith.constant 0 : i32
    %eq3A_13 = arith.cmpi eq, %arg0, %eq3A_12 : i32
    %convert_element_type3A_14 = arith.extui %eq3A_13 : i1 to i32
    %cond3A = arith.constant 0 : i32
    %cond3A_15 = arith.cmpi ne, %convert_element_type3A_14, %cond3A : i32
    scf.if %cond3A_15 {
      %swap3A = arith.constant 0 : index
      %swap3A_20 = arith.constant 0 : index
      %swap3A_21 = vector.load %arg3[%swap3A, %swap3A_20] : memref<1024x256xf32, #tpu.memory_space<vmem>>, vector<1024x256xf32>
      tpu.vector_store %arg3[%swap3A, %swap3A_20], %dot_general3A_11 {strides = array<i32>} : memref<1024x256xf32, #tpu.memory_space<vmem>>, vector<1024x256xf32>,
    } else {
    }
    %gt3A = arith.constant 0 : i32
    %gt3A_16 = arith.cmpi sgt, %arg0, %gt3A : i32
    %convert_element_type3A_17 = arith.extui %gt3A_16 : i1 to i32
    %cond3A_18 = arith.constant 0 : i32
    %cond3A_19 = arith.cmpi ne, %convert_element_type3A_17, %cond3A_18 : i32
    scf.if %cond3A_19 {
      %get3A_20 = arith.constant 0 : index
      %get3A_21 = arith.constant 0 : index
      %get3A_22 = vector.load %arg3[%get3A_20, %get3A_21] : memref<1024x256xf32, #tpu.memory_space<vmem>>, vector<1024x256xf32>
      %add3A = arith.addf %get3A_22, %dot_general3A_11 : vector<1024x256xf32>
      %swap3A = arith.constant 0 : index
      %swap3A_23 = arith.constant 0 : index
      %swap3A_24 = vector.load %arg3[%swap3A, %swap3A_23] : memref<1024x256xf32, #tpu.memory_space<vmem>>, vector<1024x256xf32>
      tpu.vector_store %arg3[%swap3A, %swap3A_23], %add3A {strides = array<i32>} : memref<1024x256xf32, #tpu.memory_space<vmem>>, vector<1024x256xf32>,
    } else {
    }
    return
  }
  func.func @transform_0(%arg0: i32) -> (i32, i32, i32) {
    %c0_i32 = arith.constant 0 : i32
    %c0_i32_0 = arith.constant 0 : i32
    %c0_i32_1 = arith.constant 0 : i32
    return %arg0, %c0_i32, %c0_i32_0 : i32, i32, i32
  }
  func.func @transform_1(%arg0: i32) -> (i32, i32) {
    %c0_i32 = arith.constant 0 : i32
    %c0_i32_0 = arith.constant 0 : i32
    return %arg0, %c0_i32 : i32, i32
  }
  func.func @transform_2(%arg0: i32) -> (i32, i32) {
    %c0_i32 = arith.constant 0 : i32
    %c0_i32_0 = arith.constant 0 : i32
    %c0_i32_1 = arith.constant 0 : i32
    return %c0_i32, %c0_i32_0 : i32, i32
  }
}

module attributes {stable_mosaic.version = 14 : i64} {
  func.func @_combine_body(%arg0: memref<1024x256xf32, #tpu.memory_space<vmem>>, %arg1: memref<2x1024x256xf32, #tpu.memory_space<vmem>>, %arg2: memref<32x1024xf32, #tpu.memory_space<vmem>>, %arg3: memref<1024x256xf32, #tpu.memory_space<vmem>>) attributes {dimension_semantics = [], scalar_prefetch = 0 : i64, scratch_operands = 0 : i64, tpu.core_type = #tpu.core_type<tc>} {
    %get3A = arith.constant 0 : index
    %get3A_0 = arith.constant 0 : index
    %get3A_1 = vector.load %arg0[%get3A, %get3A_0] : memref<1024x256xf32, #tpu.memory_space<vmem>>, vector<1024x256xf32>
    %get3A_2 = arith.constant 0 : index
    %get3A_3 = arith.constant 0 : index
    %get3A_4 = arith.constant 0 : index
    %get3A_5 = vector.load %arg1[%get3A_2, %get3A_3, %get3A_4] : memref<2x1024x256xf32, #tpu.memory_space<vmem>>, vector<1x1024x256xf32>
    %get3A_6 = vector.shape_cast %get3A_5 : vector<1x1024x256xf32> to vector<1024x256xf32>
    %add3A = arith.addf %get3A_1, %get3A_6 : vector<1024x256xf32>
    %get3A_7 = arith.constant 1 : index
    %get3A_8 = arith.constant 0 : index
    %get3A_9 = arith.constant 0 : index
    %get3A_10 = vector.load %arg1[%get3A_7, %get3A_8, %get3A_9] : memref<2x1024x256xf32, #tpu.memory_space<vmem>>, vector<1x1024x256xf32>
    %get3A_11 = vector.shape_cast %get3A_10 : vector<1x1024x256xf32> to vector<1024x256xf32>
    %add3A_12 = arith.addf %add3A, %get3A_11 : vector<1024x256xf32>
    %get3A_13 = arith.constant 0 : index
    %get3A_14 = arith.constant 0 : index
    %get3A_15 = vector.load %arg2[%get3A_13, %get3A_14] : memref<32x1024xf32, #tpu.memory_space<vmem>>, vector<32x1024xf32>
    %reduce_sum3A = arith.constant dense<0.000000e+00> : vector<1024xf32>
    %reduce_sum3A_16 = vector.multi_reduction <add>, %get3A_15, %reduce_sum3A [0] : vector<32x1024xf32> to vector<1024xf32>
    %reshape3A = vector.shape_cast %reduce_sum3A_16 : vector<1024xf32> to vector<1024x1xf32>
    %max3A = arith.constant 1.000000e+00 : f32
    %max3A_17 = vector.broadcast %max3A : f32 to vector<1024x1xf32>
    %max3A_18 = arith.maximumf %reshape3A, %max3A_17 : vector<1024x1xf32>
    %div3A = vector.broadcast %max3A_18 : vector<1024x1xf32> to vector<1024x256xf32>
    %div3A_19 = arith.divf %add3A_12, %div3A : vector<1024x256xf32>
    %swap3A = arith.constant 0 : index
    %swap3A_20 = arith.constant 0 : index
    %swap3A_21 = vector.load %arg3[%swap3A, %swap3A_20] : memref<1024x256xf32, #tpu.memory_space<vmem>>, vector<1024x256xf32>
    tpu.vector_store %arg3[%swap3A, %swap3A_20], %div3A_19 {strides = array<i32>} : memref<1024x256xf32, #tpu.memory_space<vmem>>, vector<1024x256xf32>,
    return
  }
}

</mosaic_0001>

<sc_bundles>
// kernel: kernel.5.cloned.1.call-start
scs
__scs_entry_jumppad:
0x0: {  	(pc) =	sbr.rel $0x88, $3  }
0x1: {  	(tag) =	ssettag $0x0;
	lr =	simm.s32 $0x1  }
0x2: {  	[smem:$0x3F9F] =	sst lr;
	_ =	strace $0xD0000000  }
0x3: {  	_ = 	snop  }
0x4: {  	_ = 	snop  }
0x5: {  	_ = 	snop  }
0x6: {  	_ = 	snop  }
0x7: {  	_ = 	snop  }
__scs_overlays_trampoline_lowered:
0x8: {  	[smem:$0x3FAE] =	sst s0  }
0x9: {  	[smem:$0x3FAF] =	sst s1  }
0xa: {  	[smem:$0x3FB0] =	sst s2  }
0xb: {  	[smem:$0x3FB1] =	sst s3  }
0xc: {  	[smem:$0x3FB2] =	sst s4  }
0xd: {  	[smem:$0x3FB3] =	sst s5  }
0xe: {  	[smem:$0x3FB4] =	sst s6  }
0xf: {  	[smem:$0x3FB5] =	sst s7  }
0x10: {  	[smem:$0x3FB6] =	sst s8  }
0x11: {  	[smem:$0x3FB7] =	sst s9;
	s0 =	simm.s32 @!p0 $0x0  }
0x12: {  	s1 =	sld [smem:$0x3F9D];
	s0 =	simm.s32 @p0 $0x1  }
0x13: {  	[smem:$0x3FB8] =	sst s0;
	s0 =	simm.s32 @!p1 $0x0  }
0x14: {  	s2 =	sld [smem:$0x3F9C];
	s0 =	simm.s32 @p1 $0x1  }
0x15: {  	[smem:$0x3FB9] =	sst s0;
	s0 =	simm.s32 @!p2 $0x0  }
0x16: {  	s3 =	sld [smem:$0x3FDB];
	s0 =	simm.s32 @p2 $0x1  }
0x17: {  	s4 =	simm.s32 $0x1BF5;
	[smem:$0x3FBB] =	sst s0  }
0x18: {  	s0 =	sld [smem:$0x3F9E];
	_ =	swait.ge [sflag:s4], $0x0  }
0x19: {  	s7 =	sld [smem:$0x3F9F]  }
0x1a: {  	s8 =	sadd.s32 $0xFFFFE003, lr  }
0x1b: {  	s9 =	sadd.s32 $0xFFFFFEF7, lr;
	s5 =	simm.s32 $0xFFFFFFFF;
	p2 =	slt.u32 s8, $0xFFFFF086  }
0x1c: {  	p1 =	slt.u32 s9, $0xF7A;
	s5 =	simm.s32 @!p2 $0x0  }
0x1d: {  	s5 =	simm.s32 @p1 $0x1;
	p0 =	seq.s32 s7, s2  }
0x1e: {  	s7 =	smul.u32 @!p0 $0xF7A, s2;
	p2 =	seq.s32 @!p0 s5, $0x0  }
0x1f: {  	s9 =	smul.u32 $0xF7A, s1;
	s8 =	simm.s32 @!p0 $0x1BF5;
	p2 =	por !p2, p0  }
0x20: {  	[sflag:s8] =	ssyncset.s32 @!p0 $0xFFFFF086;
	s6 =	sadd.s32 @!p0 s3, s7;
	s7 =	simm.s32 @!p0 $0x108  }
0x21: {  	s3 =	sadd.s32 s3, s9;
	s6 =	sadd.s32 @!p0 $0x88, s6;
	s7 =	simm.s32 @p2 $0x1082  }
0x22: {  	[simem:s7], [sflag:s8] =	dma.local @!p0 [hbm:s6], $0xF7A  }
0x23: {  	s9 =	sor.u32 $0xD0000000, s2;
	s6 =	simm.s32 $0x108;
	_ =	swait.ge @!p0 [sflag:s8], $0x0  }
0x24: {  	s3 =	sadd.s32 $0x88, s3;
	s6 =	simm.s32 @!p1 $0x1082;
	[sflag:s4] =	ssyncset.s32 $0xFFFFF086  }
0x25: {  	[simem:s6], [sflag:s4] =	dma.local [hbm:s3], $0xF7A  }
0x26: {  	[smem:$0x3F9F] =	sst s1;
	(tag) =	ssettag s2;
	_ =	strace s9  }
0x27: {  	s1 =	sld [smem:$0x3FAF]  }
0x28: {  	s2 =	sld [smem:$0x3FB0]  }
0x29: {  	s4 =	sld [smem:$0x3FB2]  }
0x2a: {  	p0 =	seq.s32 s5, $0x0;
	s5 =	sld [smem:$0x3FB3]  }
0x2b: {  	s6 =	sld [smem:$0x3FB4]  }
0x2c: {  	s7 =	sld [smem:$0x3FB5]  }
0x2d: {  	s3 =	simm.s32 $0x108;
	s8 =	sld [smem:$0x3FB6]  }
0x2e: {  	s3 =	simm.s32 @!p0 $0x1082;
	s9 =	sld [smem:$0x3FB7]  }
0x2f: {  	lr =	sadd.s32 s0, s3;
	s0 =	sld [smem:$0x3FAE]  }
0x30: {  	s3 =	sld [smem:$0x3FB1]  }
0x31: {  	[smem:$0x3FBA] =	sst s10  }
0x32: {  	s10 =	sld [smem:$0x3FB8];
	_ =	sdelay $0x3  }
0x33: {  	p0 =	seq.s32 s10, $0x1;
	s10 =	sld [smem:$0x3FBA];
	_ =	sdelay $0x3  }
0x34: {  	[smem:$0x3FBA] =	sst s10  }
0x35: {  	s10 =	sld [smem:$0x3FB9];
	_ =	sdelay $0x3  }
0x36: {  	p1 =	seq.s32 s10, $0x1;
	s10 =	sld [smem:$0x3FBA];
	_ =	sdelay $0x3  }
0x37: {  	[smem:$0x3FBA] =	sst s10  }
0x38: {  	s10 =	sld [smem:$0x3FBB]  }
0x39: {  	_ = 	snop;
	(pc) =	sbr.ind lr, $3  }
0x3a: {  	_ = 	snop  }
0x3b: {  	_ = 	snop  }
0x3c: {  	p2 =	seq.s32 s10, $0x1;
	s10 =	sld [smem:$0x3FBA]  }
0x3d: {  	_ =	shalt  }
0x3e: {  	_ =	shalt  }
0x3f: {  	_ =	shalt  }
0x40: {  	_ =	shalt  }
0x41: {  	_ =	shalt  }
0x42: {  	_ =	shalt  }
0x43: {  	_ =	shalt  }
0x44: {  	_ =	shalt  }
0x45: {  	_ =	shalt  }
0x46: {  	_ =	shalt  }
0x47: {  	_ =	shalt  }
0x48: {  	_ =	shalt  }
0x49: {  	_ =	shalt  }
0x4a: {  	_ =	shalt  }
0x4b: {  	_ =	shalt  }
0x4c: {  	_ =	shalt  }
0x4d: {  	_ =	shalt  }
0x4e: {  	_ =	shalt  }
0x4f: {  	_ =	shalt  }
0x50: {  	_ =	shalt  }
0x51: {  	_ =	shalt  }
0x52: {  	_ =	shalt  }
0x53: {  	_ =	shalt  }
0x54: {  	_ =	shalt  }
0x55: {  	_ =	shalt  }
0x56: {  	_ =	shalt  }
0x57: {  	_ =	shalt  }
0x58: {  	_ =	shalt  }
0x59: {  	_ =	shalt  }
0x5a: {  	_ =	shalt  }
0x5b: {  	_ =	shalt  }
0x5c: {  	_ =	shalt  }
0x5d: {  	_ =	shalt  }
0x5e: {  	_ =	shalt  }
0x5f: {  	_ =	shalt  }
0x60: {  	_ =	shalt  }
0x61: {  	_ =	shalt  }
0x62: {  	_ =	shalt  }
0x63: {  	_ =	shalt  }
0x64: {  	_ =	shalt  }
0x65: {  	_ =	shalt  }
0x66: {  	_ =	shalt  }
0x67: {  	_ =	shalt  }
0x68: {  	_ =	shalt  }
0x69: {  	_ =	shalt  }
0x6a: {  	_ =	shalt  }
0x6b: {  	_ =	shalt  }
0x6c: {  	_ =	shalt  }
0x6d: {  	_ =	shalt  }
0x6e: {  	_ =	shalt  }
0x6f: {  	_ =	shalt  }
0x70: {  	_ =	shalt  }
0x71: {  	_ =	shalt  }
0x72: {  	_ =	shalt  }
0x73: {  	_ =	shalt  }
0x74: {  	_ =	shalt  }
0x75: {  	_ =	shalt  }
0x76: {  	_ =	shalt  }
0x77: {  	_ =	shalt  }
0x78: {  	_ =	shalt  }
0x79: {  	_ =	shalt  }
0x7a: {  	_ =	shalt  }
0x7b: {  	_ =	shalt  }
0x7c: {  	_ =	shalt  }
0x7d: {  	_ =	shalt  }
0x7e: {  	_ =	shalt  }
0x7f: {  	_ =	shalt  }
0x80: {  	_ =	shalt  }
0x81: {  	_ =	shalt  }
0x82: {  	_ =	shalt  }
0x83: {  	_ =	shalt  }
0x84: {  	_ =	shalt  }
0x85: {  	_ =	shalt  }
0x86: {  	_ =	shalt  }
0x87: {  	_ =	shalt  }
.Lfunc_end0:
.L_simem_size_0:
called_computation_lowered:
.L_overlay_start_0:
0x88: {  	s2 =	sld [smem:$0x3FD9]  }
0x89: {  	s3 =	sld [smem:$0x3FFE];
	_ =	sdelay $0x1  }
0x8a: {  	s1 =	srdreg.scid  }
0x8b: {  	s0 =	sand.u32 $0x1, s1  }
0x8c: {  	s17 =	sshll.u32 s0, $0xA;
	s2 =	sadd.s32 s3, s2  }
0x8d: {  	s2 =	sadd.s32 s2, s17  }
0x8e: {  	[smem:$0x3FC6] =	sst s2  }
0x8f: {  	_ = 	snop  }
0x90: {  	s2 =	sld [smem:$0x3FC9]  }
0x91: {  	s18 =	sld [smem:$0x3FC8]  }
0x92: {  	s4 =	sld [smem:$0x3FD0];
	(tm) =	ssettm $0x1  }
0x93: {  	s5 =	sld [smem:$0x3FFB];
	_ =	sdelay $0x3  }
0x94: {  	_ =	strace s5  }
0x95: {  	s5 =	sld [smem:$0x3FFC];
	_ =	sdelay $0x3  }
0x96: {  	_ =	strace s5  }
0x97: {  	s5 =	sld [smem:$0x3FFD];
	_ =	sdelay $0x3  }
0x98: {  	_ =	strace s5  }
0x99: {  	_ =	strace $0x8FFFFFFF  }
0x9a: {  	s19 =	sld [smem:$0x3FDB];
	_ =	sdelay $0x1  }
0x9b: {  	s6 =	simm.s32 $_scs_section_size  }
0x9c: {  	s7 =	simm.s32 $_size__tile_overlayer_lowered;
	s8 =	simm.s32 $_tile_overlayer_lowered  }
0x9d: {  	s22 =	simm.s32 $0x1BFF;
	s21 =	sshll.u32 s8, $0x1;
	s5 =	sadd.s32 s6, s19  }
0x9e: {  	s9 =	simm.s32 $0x0;
	s20 =	sshll.u32 s7, $0x1;
	s7 =	sadd.s32 s21, s5  }
0x9f: {  	[timem:s9], [sflag:s22] =	dma.local [hbm:s7], s20  }
0xa0: {  	_ =	swait.ge [sflag:s22], s20  }
0xa1: {  	s6 =	ssub.s32 $0x0, s20;
	[sflag:s22] =	ssyncset.done $0x0  }
0xa2: {  	[sflag:s22] =	ssyncadd.s32 s6;
	_ =	sdelay $0x1  }
0xa3: {  	s23 =	simm.s32 $0x1B8B  }
0xa4: {  	_ =	swait.ge [sflag:s23], $0x1  }
0xa5: {  	[sflag:s23] =	ssyncset.done $0x0  }
0xa6: {  	s25 =	simm.s32 $0x1B8E;
	s24 =	sld [smem:$0x3FFE];
	[sflag:s23] =	ssyncadd.s32 $0xFFFFFFFF  }
0xa7: {  	s26 =	simm.s32 $execute0_lowered;
	[smem:$0x3FD2] =	sst s25  }
0xa8: {  	s7 =	sshll.u32 s26, $0x1;
	_ =	strace $0x80000046;
	[dreg:$0x1] =	wrdreg $0xFFFFFFFF  }
0xa9: {  	s28 =	simm.s32 $_size_execute0_lowered;
	s5 =	sadd.s32 s5, s7;
	[dreg:$0x0] =	wrdreg $0x0  }
0xaa: {  	s7 =	sshll.u32 s28, $0x1;
	[dreg:$0x2] =	wrdreg s5  }
0xab: {  	[dreg:$0x3] =	wrdreg s7  }
0xac: {  	[dreg:$0x4] =	wrdreg $0xC0  }
0xad: {  	_ =	task [dreg:s9], $0x5FFFF  }
0xae: {  	[dreg:$0x1] =	wrdreg $0xFFFFFFFF  }
0xaf: {  	[dreg:$0x0] =	wrdreg $0x60  }
0xb0: {  	[dreg:$0x2] =	wrdreg s2  }
0xb1: {  	[dreg:$0x3] =	wrdreg s18  }
0xb2: {  	[dreg:$0x4] =	wrdreg s24  }
0xb3: {  	[dreg:$0x5] =	wrdreg s4  }
0xb4: {  	[dreg:$0x6] =	wrdreg $0xE8800  }
0xb5: {  	[dreg:$0x7] =	wrdreg $0x108800  }
0xb6: {  	[dreg:$0x8] =	wrdreg $0x9  }
0xb7: {  	_ =	task.clear_ibuf [dreg:s9], $0x9FFFF;
	_ =	strace $0x90000046  }
0xb8: {  	s29 =	simm.s32 $0x9;
	_ =	strace $0x80000048  }
0xb9: {  	_ =	swait.ge [sflag:s29], $0x1  }
0xba: {  	[sflag:s29] =	ssyncadd.s32 $0xFFFFFFFF  }
0xbb: {  	_ =	strace $0x90000048  }
0xbc: {  	_ =	sfence  }
0xbd: {  	s30 =	sld [smem:$0x0];
	_ =	sdelay $0x2  }
0xbe: {  	s31 =	sshll.u32 s1, $0xD;
	s1 =	sshrl.u32 s1, $0x2  }
0xbf: {  	s3 =	sand.u32 $0x4000, s31;
	s1 =	sadd.s32 s1, s30  }
0xc0: {  	s0 =	sor.u32 s3, s0;
	s1 =	sshll.u32 s1, $0x11  }
0xc1: {  	s0 =	sor.u32 s1, s0  }
0xc2: {  	s0 =	sadd.s32 $0x8F2B, s0  }
0xc3: {  	[sflag:s0] =	ssyncadd.remote.s32 $0x1  }
0xc4: {  	_ =	sfence.sel $0xFFFF  }
0xc5: {  	[dreg:$0x0] =	wrdreg $0xFFFFFFFF;
	(pc) =	sbr.abs _section_cstart, $3  }
0xc6: {  	[dreg:$0x1] =	wrdreg $0xFFFFFFFF  }
0xc7: {  	_ =	task.clear_ibuf [dreg:s9], $0x2FFFF;
	_ =	strace $0x9FFFFFFF  }
0xc8: {  	(tm) =	ssettm $0x7FFFFFFF  }
0xc9: {  	_ =	shalt  }
tec
execute0_lowered:
.L_overlay_start_1:
0x0: {  	(tag) =	ssettag $0x1  }
0x1: {  	s1 =	rddreg [dreg:$0x0]  }
0x2: {  	s0 =	rddreg [dreg:$0x1]  }
0x3: {  	s5 =	rddreg [dreg:$0x2]  }
0x4: {  	s2 =	srdreg.scid;
	s7 =	rddreg [dreg:$0x3]  }
0x5: {  	s19 =	stileid.u32;
	s4 =	simm.s32 $0x0;
	s29 =	simm.s32 $0x3  }
0x6: {  	s30 =	simm.s32 $0x3000;
	s8 =	sand.u32 $0x1, s2;
	s2 =	rddreg [dreg:$0x4]  }
0x7: {  	s31 =	simm.s32 $0x9000;
	[smem:$0x7FF] =	sst s4;
	s11 =	sshll.u32 s19, $0xB  }
0x8: {  	s23 =	sadd.s32 $0xC5A, s0;
	s24 =	sshll.u32 s19, $0xD;
	s3 =	sshll.u32 s8, $0x4  }
0x9: {  	s12 =	sshll.u32 s8, $0xF;
	s28 =	ssub.s32 $0x2, s8;
	s8 =	smul.u32 $0xFA0, s8  }
0xa: {  	s6 =	sor.u32 s19, s3;
	s3 =	rddreg [dreg:$0x5];
	_ =	strace $0x80000047  }
0xb: {  	s11 =	sor.u32 s11, s12;
	[dreg:$0xb] =	wrdreg s23;
	s9 =	smul.u32 $0xFA, s6  }
0xc: {  	s15 =	sadd.s32 s11, s5;
	s11 =	sshrl.u32 s28, $0x1;
	s21 =	smul.u32 $0x66, s6  }
0xd: {  	s16 =	ssub.s32 s28, s11;
	s10 =	sshrl.u32 s9, $0x5;
	s17 =	sadd.s32 $0xFA, s9  }
0xe: {  	s9 =	sadd.s32 s0, s21;
	s13 =	smul.u32 $0x60, s10;
	s5 =	sshrl.u32 s17, $0x5  }
0xf: {  	s21 =	sshll.u32 s6, $0x7;
	[dreg:$0xa] =	wrdreg s9;
	s22 =	ssub.s32 s5, s10  }
0x10: {  	p0 =	sne.s32 s5, s10;
	s14 =	sadd.s32 $0x6590, s13;
	s25 =	sand.u32 $0x8000, s22  }
0x11: {  	s26 =	sand.u32 $0x1, s22;
	s18 =	sshll.u32 s14, $0x5;
	s11 =	sshrl.u32 s14, $0x3  }
0x12: {  	s14 =	sshra.s32 s22, $0x1F;
	p1 =	seq.s32 s26, $0x1;
	s26 =	smax.u32 s16, $0x1  }
0x13: {  	s20 =	sadd.s32 s1, s18;
	s11 =	sadd.s32 s0, s11;
	[dreg:$0xf] =	wrdreg s26  }
0x14: {  	s18 =	smul.u32 $0xFA, s19;
	s26 =	simm.s32 $0xC100;
	[dreg:$0x7] =	wrdreg s20  }
0x15: {  	s13 =	sadd.s32 $0x80, s20;
	[dreg:$0x9] =	wrdreg s11;
	s11 =	simm.s32 $0x1  }
0x16: {  	s20 =	sshll.u32 s19, $0x4;
	[dreg:$0x8] =	wrdreg s13;
	s11 =	simm.s32 @!p0 $0x0  }
0x17: {  	s13 =	sshrl.u32 s25, $0xF;
	s8 =	sadd.s32 s18, s8;
	s18 =	sand.u32 $0xC00, s21  }
0x18: {  	s25 =	sadd.s32 $0xE80, s15;
	s11 =	sor.u32 s11, s14;
	s12 =	sadd.s32 s13, s22  }
0x19: {  	s14 =	simm.s32 $0x1;
	s13 =	simm.s32 $0x1;
	s8 =	sshrl.u32 s8, $0x5  }
0x1a: {  	[dreg:$0xe] =	wrdreg s25;
	s25 =	simm.s32 $0xC000;
	p6 =	sne.s32 s11, $0x1  }
0x1b: {  	s11 =	sadd.s32 s24, s2;
	s12 =	sshll.u32 s12, $0x10;
	s22 =	smul.u32 $0xC00, s8  }
0x1c: {  	s23 =	smul.u32 $0xC, s8;
	p0 =	por !p6, !p1;
	s17 =	sshra.s32 s12, $0x11  }
0x1d: {  	s12 =	sadd.s32 s24, s3;
	s24 =	sadd.s32 $0xE00, s15;
	p0 =	por !p0, !p0  }
0x1e: {  	[dreg:$0xd] =	wrdreg s24;
	s1 =	sadd.s32 s22, s1;
	s0 =	sadd.s32 s23, s0  }
0x1f: {  	s22 =	simm.s32 $0x400;
	s23 =	simm.s32 $0x800;
	s24 =	simm.s32 $0x6000  }
0x20: {  	s14 =	simm.s32 @!p0 $0x0;
	s1 =	sadd.s32 $0xCBE00, s1;
	s0 =	sadd.s32 $0xCBE, s0  }
0x21: {  	p0 =	seq.s32 s6, $0x1F;
	s6 =	simm.s32 $0x0;
	[dreg:$0x10] =	wrdreg s1  }
0x22: {  	s14 =	ssub.s32 s17, s14;
	s17 =	sand.u32 $0x70, s20;
	[dreg:$0x11] =	wrdreg s0  }
.Ltmp0:
0x23: {  	s1 =	simm.s32 $0xC080;
	s0 =	simm.s32 $0x60;
	(pc) =	sbr.rel .LBB2_1-.Ltmp0, $4  }
0x24: {  	s28 =	sshll.u32 s14, $0x1;
	s7 =	sadd.s32 s7, s17;
	p2 =	slt.s32 s14, $0x1  }
0x25: {  	s9 =	sadd.s32 s10, s28;
	s7 =	sadd.s32 s18, s7;
	s28 =	sadd.s32 $0x2, s8  }
0x26: {  	s8 =	simm.s32 $0x80;
	s10 =	simm.s32 $0x100;
	[dreg:$0xc] =	wrdreg s7  }
0x27: {  	v0 =	vimm.f32 $0.0e+00;
	v1 =	vimm.f32 $1.000000000e+00;
	[dreg:$0x12] =	wrdreg s28;
	p1 =	sge.s32 s9, s5;
	s7 =	simm.s32 $0x2  }
.LBB2_9:
0x28: {  	s9 =	simm.s32 @!p1 $0x1  }
0x29: {  	_ =	swait.ge @!p1 [sflag:s9], $0x3000  }
0x2a: {  	[sflag:s9] =	ssyncset.done @!p1 $0x0  }
0x2b: {  	[sflag:s9] =	ssyncadd.s32 @!p1 $0xFFFFD000  }
0x2c: {  	_ =	swait.ge @!p1 [sflag:s9], $0x3000  }
0x2d: {  	[sflag:s9] =	ssyncset.done @!p1 $0x0  }
0x2e: {  	[sflag:s9] =	ssyncadd.s32 @!p1 $0xFFFFD000  }
0x2f: {  	_ =	swait.ge @!p1 [sflag:s9], $0x60  }
0x30: {  	s15 =	simm.s32 @!p1 $0xC000;
	[sflag:s9] =	ssyncset.done @!p1 $0x0  }
0x31: {  	s16 =	simm.s32 @!p1 $0x0;
	[sflag:s9] =	ssyncadd.s32 @!p1 $0xFFFFFFA0;
	s9 =	simm.s32 @!p1 $0x60  }
0x32: {  	[spmem:s2] =	stream.indirect.scatter.add.f32 @!p1 [tilespmem:s16], [sflag:$0x3], $0x80, s15, s9, $0xb8;
	[tilespmem:$0x12880] =	vst v63  }
0x33: {  	s16 =	simm.s32 @!p1 $0x3  }
0x34: {  	_ =	swait.ge @!p1 [sflag:s16], $0x3000  }
0x35: {  	[sflag:s16] =	ssyncset.done @!p1 $0x0  }
0x36: {  	s17 =	simm.s32 @!p1 $0x6000;
	[sflag:s16] =	ssyncadd.s32 @!p1 $0xFFFFD000  }
0x37: {  	[spmem:s3] =	stream.indirect.scatter.add.f32 @!p1 [tilespmem:s17], [sflag:$0x3], $0x80, s15, s9, $0xb8;
	[tilespmem:$0x12880] =	vst v63  }
0x38: {  	_ =	swait.ge @!p1 [sflag:s16], $0x3000  }
0x39: {  	[sflag:s16] =	ssyncset.done @!p1 $0x0  }
0x3a: {  	[sflag:s16] =	ssyncadd.s32 @!p1 $0xFFFFD000  }
0x3b: {  	v2 =	vld @!p1 [tilespmem:$0xC000];
	_ =	sdelay $0x6  }
0x3c: {  	v3 =	vimm.f32 @!p1 $1.000000000e+00;
	s9 =	simm.s32 @!p1 $0xC100  }
0x3d: {  	[tilespmem:v2+s9+$0x0] =	vst.idx.add.f32.msk @!p1 $0xffff, v3  }
0x3e: {  	v2 =	vld @!p1 [tilespmem:$0xC010];
	_ =	sdelay $0x7  }
0x3f: {  	[tilespmem:v2+s9+$0x0] =	vst.idx.add.f32.msk @!p1 $0xffff, v3  }
0x40: {  	v2 =	vld @!p1 [tilespmem:$0xC020];
	_ =	sdelay $0x7  }
0x41: {  	[tilespmem:v2+s9+$0x0] =	vst.idx.add.f32.msk @!p1 $0xffff, v3  }
0x42: {  	v2 =	vld @!p1 [tilespmem:$0xC030];
	_ =	sdelay $0x7  }
0x43: {  	[tilespmem:v2+s9+$0x0] =	vst.idx.add.f32.msk @!p1 $0xffff, v3  }
0x44: {  	v2 =	vld @!p1 [tilespmem:$0xC040];
	_ =	sdelay $0x7  }
0x45: {  	[tilespmem:v2+s9+$0x0] =	vst.idx.add.f32.msk @!p1 $0xffff, v3  }
0x46: {  	v2 =	vld @!p1 [tilespmem:$0xC050];
	_ =	sdelay $0x7  }
0x47: {  	s15 =	rddreg [dreg:$0xc];
	[tilespmem:v2+s9+$0x0] =	vst.idx.add.f32.msk @!p1 $0xffff, v3  }
0x48: {  	[hbm4b:s15+s8] =	stream.strided.scatter [tilespmem:s26], [sflag:$0x3], $0x400, s22, s8, $0x38;
	[tilespmem:$0x12880] =	vst v63  }
0x49: {  	_ =	swait.ge [sflag:s29], $0x400  }
0x4a: {  	[sflag:s29] =	ssyncset.done $0x0  }
0x4b: {  	s16 =	stileid.u32;
	[sflag:s29] =	ssyncadd.s32 $0xFFFFFC00  }
0x4c: {  	s19 =	simm.s32 $0x8;
	s9 =	sshll.u32 s16, $0x6;
	[bflag:$0x0] =	sbarrier.arrive $0xFFFF  }
0x4d: {  	s17 =	sshrl.u32 s11, $0x3;
	s9 =	sor.u32 $0x1C03, s9;
	s18 =	rddreg [dreg:$0xd]  }
0x4e: {  	[hbm:s18@s10], [sflag:s9] =	dma.strided [spmem:s17@s8], $0x400, s19, $0x10   }
0x4f: {  	_ =	swait.ge [sflag:s29], $0x400  }
0x50: {  	[sflag:s29] =	ssyncset.done $0x0  }
0x51: {  	s20 =	sshrl.u32 s12, $0x3;
	s21 =	rddreg [dreg:$0xe];
	[sflag:s29] =	ssyncadd.s32 $0xFFFFFC00  }
0x52: {  	[hbm:s21@s10], [sflag:s9] =	dma.strided [spmem:s20@s8], $0x400, s19, $0x10   }
0x53: {  	_ =	swait.ge [sflag:s29], $0x400  }
0x54: {  	s6 =	sadd.s32 $0x1, s6;
	s28 =	rddreg [dreg:$0xf]  }
0x55: {  	p3 =	sne.s32 s6, s28  }
.Ltmp1:
0x56: {  	_ = 	snop;
	(pc) =	sbr.rel @!p3 .LBB2_10-.Ltmp1, $3  }
0x57: {  	_ =	sdelay $0x1  }
0x58: {  	[sflag:s29] =	ssyncset.done $0x0  }
0x59: {  	[sflag:s29] =	ssyncadd.s32 $0xFFFFFC00  }
.LBB2_1:
0x5a: {  	s9 =	rddreg [dreg:$0x7]  }
0x5b: {  	[tilespmem:s4], [sflag:$0x1] =	stream.strided.gather [hbm4b:s9+s22], $0x3000, s23, s22, $0x38;
	[tilespmem:$0x12880] =	vst v63  }
0x5c: {  	s21 =	rddreg [dreg:$0x8]  }
0x5d: {  	[tilespmem:s24], [sflag:$0x1] =	stream.strided.gather [hbm4b:s21+s22], $0x3000, s23, s22, $0x38;
	[tilespmem:$0x12880] =	vst v63  }
0x5e: {  	s28 =	rddreg [dreg:$0x9];
	s15 =	simm.s32 $0x0  }
0x5f: {  	[tilespmem:s25], [sflag:$0x1] =	stream.linear.gather [hbm4b:s28+s4], $0x60, $0x38;
	[tilespmem:$0x12880] =	vst v63  }
.LBB2_2:
0x60: {  	p3 =	sne.s32 s15, $0xFC0  }
.Ltmp2:
0x61: {  	_ = 	snop;
	(pc) =	sbr.rel @p3 .LBB2_2-.Ltmp2, $3  }
0x62: {  	_ =	sdelay $0x1  }
0x63: {  	s19 =	sshra.s32 s15, $0x2  }
0x64: {  	s15 =	sadd.s32 $0x40, s15;
	[tilespmem:s19+$0xC100] =	vst v0  }
0x65: {  	s15 =	simm.s32 $0x0;
	s19 =	simm.s32 $0x200  }
.LBB2_4:
0x66: {  	p3 =	sne.s32 s19, $0x7E00;
	[tilespmem:s15+$0xC8F0] =	vst v0  }
0x67: {  	[tilespmem:s15+$0xC880] =	vst v0  }
0x68: {  	[tilespmem:s15+$0xC890] =	vst v0  }
.Ltmp3:
0x69: {  	[tilespmem:s15+$0xC8A0] =	vst v0;
	(pc) =	sbr.rel @p3 .LBB2_4-.Ltmp3, $4  }
0x6a: {  	[tilespmem:s15+$0xC8B0] =	vst v0  }
0x6b: {  	[tilespmem:s15+$0xC8C0] =	vst v0  }
0x6c: {  	[tilespmem:s15+$0xC8D0] =	vst v0  }
0x6d: {  	[tilespmem:s15+$0xC8E0] =	vst v0;
	s15 =	sshra.s32 s19, $0x2;
	s19 =	sadd.s32 $0x200, s19  }
0x6e: {  	[tilespmem:s15+$0xC8F0] =	vst v0  }
0x6f: {  	[tilespmem:s15+$0xC880] =	vst v0  }
0x70: {  	[tilespmem:s15+$0xC890] =	vst v0  }
0x71: {  	[tilespmem:s15+$0xC8A0] =	vst v0  }
0x72: {  	[tilespmem:s15+$0xC8B0] =	vst v0  }
0x73: {  	[tilespmem:s15+$0xC8C0] =	vst v0  }
0x74: {  	[tilespmem:s15+$0xC8D0] =	vst v0  }
0x75: {  	[tilespmem:s15+$0xC8E0] =	vst v0;
	s15 =	simm.s32 @p0 $0x0;
	s19 =	simm.s32 @p0 $0xC500;
	s9 =	rddreg [dreg:$0xb]  }
0x76: {  	[tilespmem:s19], [sflag:$0x3] =	stream.linear.gather @p0 [hbm4b:s9+s15], $0x2C0, $0x38;
	[tilespmem:$0x12880] =	vst v63  }
0x77: {  	s15 =	simm.s32 @p0 $0x3  }
0x78: {  	_ =	swait.ge @p0 [sflag:s15], $0x2C0  }
0x79: {  	s19 =	simm.s32 @!p0 $0xC500;
	[sflag:s15] =	ssyncset.done @p0 $0x0  }
0x7a: {  	s9 =	rddreg [dreg:$0xa];
	[sflag:s15] =	ssyncadd.s32 @p0 $0xFFFFFD40;
	s15 =	simm.s32 @!p0 $0x0  }
0x7b: {  	[tilespmem:s19], [sflag:$0x3] =	stream.linear.gather @!p0 [hbm4b:s9+s15], $0x330, $0x38;
	[tilespmem:$0x12880] =	vst v63  }
0x7c: {  	s19 =	simm.s32 @!p0 $0x33  }
0x7d: {  	s19 =	simm.s32 @p0 $0x2C  }
0x7e: {  	p3 =	sne.s32 s19, $0x1  }
.Ltmp4:
0x7f: {  	s15 =	simm.s32 @!p0 $0x3;
	(pc) =	sbr.rel @!p3 .LBB2_7-.Ltmp4, $4  }
0x80: {  	_ =	swait.ge @!p0 [sflag:s15], $0x330  }
0x81: {  	[sflag:s15] =	ssyncset.done @!p0 $0x0  }
0x82: {  	[sflag:s15] =	ssyncadd.s32 @!p0 $0xFFFFFCD0;
	s15 =	simm.s32 $0xC500  }
0x83: {  	s19 =	sadd.s32 $0xFFFFFFFF, s19;
	v2 =	vld [tilespmem:s15+$0x0]  }
.LBB2_6:
0x84: {  	p3 =	sne.s32 s19, $0x1;
	_ =	sdelay $0x3  }
.Ltmp5:
0x85: {  	(pc) =	sbr.rel @p3 .LBB2_6-.Ltmp5, $3  }
0x86: {  	_ =	sdelay $0x1  }
0x87: {  	s15 =	sadd.s32 $0x10, s15;
	[tilespmem:v2+s26+$0x0] =	vst.idx.add.f32.msk $0xffff, v1  }
0x88: {  	s19 =	sadd.s32 $0xFFFFFFFF, s19;
	v2 =	vld [tilespmem:s15+$0x0]  }
.LBB2_7:
0x89: {  	_ =	sdelay $0x7  }
0x8a: {  	s9 =	simm.s32 $0xC880;
	[tilespmem:v2+s26+$0x0] =	vst.idx.add.f32.msk $0xffff, v1  }
0x8b: {  	[spmem:s11] =	stream.linear.scatter [tilespmem:s9], [sflag:$0x3], $0x2000, $0x38;
	[tilespmem:$0x12880] =	vst v63  }
0x8c: {  	_ =	swait.ge [sflag:s29], $0x2000  }
0x8d: {  	[sflag:s29] =	ssyncset.done $0x0  }
0x8e: {  	[sflag:s29] =	ssyncadd.s32 $0xFFFFE000  }
0x8f: {  	[spmem:s12] =	stream.linear.scatter [tilespmem:s9], [sflag:$0x3], $0x2000, $0x38;
	[tilespmem:$0x12880] =	vst v63  }
0x90: {  	_ =	swait.ge [sflag:s29], $0x2000  }
0x91: {  	[sflag:s29] =	ssyncset.done $0x0  }
.Ltmp6:
0x92: {  	[sflag:s29] =	ssyncadd.s32 $0xFFFFE000;
	(pc) =	sbr.rel @p2 .LBB2_9-.Ltmp6, $4  }
0x93: {  	[bflag:$0x0] =	sbarrier.arrive $0xFFFF  }
0x94: {  	s21 =	rddreg [dreg:$0x12]  }
0x95: {  	s20 =	rddreg [dreg:$0x11]  }
0x96: {  	s15 =	simm.s32 $0x0;
	s19 =	rddreg [dreg:$0x10]  }
.LBB2_8:
0x97: {  	[tilespmem:s30], [sflag:$0x2] =	stream.strided.gather [hbm4b:s19+s22], $0x3000, s23, s22, $0x38;
	[tilespmem:$0x12880] =	vst v63  }
0x98: {  	s18 =	sadd.s32 $0x80, s19  }
0x99: {  	[tilespmem:s31], [sflag:$0x2] =	stream.strided.gather [hbm4b:s18+s22], $0x3000, s23, s22, $0x38;
	[tilespmem:$0x12880] =	vst v63  }
0x9a: {  	_ = 	snop  }
0x9b: {  	[tilespmem:s1], [sflag:$0x2] =	stream.linear.gather [hbm4b:s20+s4], $0x60, $0x38;
	[tilespmem:$0x12880] =	vst v63  }
0x9c: {  	_ =	swait.ge [sflag:s13], $0x3000  }
0x9d: {  	[sflag:s13] =	ssyncset.done $0x0  }
0x9e: {  	[sflag:s13] =	ssyncadd.s32 $0xFFFFD000  }
0x9f: {  	_ =	swait.ge [sflag:s13], $0x3000  }
0xa0: {  	[sflag:s13] =	ssyncset.done $0x0  }
0xa1: {  	[sflag:s13] =	ssyncadd.s32 $0xFFFFD000  }
0xa2: {  	_ =	swait.ge [sflag:s13], $0x60  }
0xa3: {  	[sflag:s13] =	ssyncset.done $0x0  }
0xa4: {  	[sflag:s13] =	ssyncadd.s32 $0xFFFFFFA0  }
0xa5: {  	[spmem:s2] =	stream.indirect.scatter.add.f32 [tilespmem:s4], [sflag:$0x3], $0x80, s25, s0, $0xb8;
	[tilespmem:$0x12880] =	vst v63  }
0xa6: {  	_ =	swait.ge [sflag:s29], $0x3000  }
0xa7: {  	[sflag:s29] =	ssyncset.done $0x0  }
0xa8: {  	[sflag:s29] =	ssyncadd.s32 $0xFFFFD000  }
0xa9: {  	[spmem:s3] =	stream.indirect.scatter.add.f32 [tilespmem:s24], [sflag:$0x3], $0x80, s25, s0, $0xb8;
	[tilespmem:$0x12880] =	vst v63  }
0xaa: {  	_ =	swait.ge [sflag:s29], $0x3000  }
0xab: {  	[sflag:s29] =	ssyncset.done $0x0  }
0xac: {  	[sflag:s29] =	ssyncadd.s32 $0xFFFFD000  }
0xad: {  	v2 =	vld [tilespmem:$0xC000];
	_ =	sdelay $0x7  }
0xae: {  	[tilespmem:v2+s26+$0x0] =	vst.idx.add.f32.msk $0xffff, v1  }
0xaf: {  	v2 =	vld [tilespmem:$0xC010];
	_ =	sdelay $0x7  }
0xb0: {  	[tilespmem:v2+s26+$0x0] =	vst.idx.add.f32.msk $0xffff, v1  }
0xb1: {  	v2 =	vld [tilespmem:$0xC020];
	_ =	sdelay $0x7  }
0xb2: {  	[tilespmem:v2+s26+$0x0] =	vst.idx.add.f32.msk $0xffff, v1  }
0xb3: {  	v2 =	vld [tilespmem:$0xC030];
	_ =	sdelay $0x7  }
0xb4: {  	[tilespmem:v2+s26+$0x0] =	vst.idx.add.f32.msk $0xffff, v1  }
0xb5: {  	v2 =	vld [tilespmem:$0xC040];
	_ =	sdelay $0x7  }
0xb6: {  	[tilespmem:v2+s26+$0x0] =	vst.idx.add.f32.msk $0xffff, v1  }
0xb7: {  	v2 =	vld [tilespmem:$0xC050];
	_ =	sdelay $0x5  }
0xb8: {  	p3 =	sge.u32 s21, s5  }
0xb9: {  	s17 =	simm.s32 @!p3 $0x400  }
0xba: {  	s16 =	simm.s32 @!p3 $0x800;
	s28 =	simm.s32 @!p3 $0x0;
	s18 =	sadd.s32 @!p3 $0xC00, s19;
	[tilespmem:v2+s26+$0x0] =	vst.idx.add.f32.msk $0xffff, v1  }
0xbb: {  	[tilespmem:s28], [sflag:$0x1] =	stream.strided.gather @!p3 [hbm4b:s18+s17], $0x3000, s16, s17, $0x38;
	[tilespmem:$0x12880] =	vst v63  }
0xbc: {  	s9 =	simm.s32 @!p3 $0x6000;
	s18 =	sadd.s32 @!p3 $0xC80, s19  }
0xbd: {  	[tilespmem:s9], [sflag:$0x1] =	stream.strided.gather @!p3 [hbm4b:s18+s17], $0x3000, s16, s17, $0x38;
	[tilespmem:$0x12880] =	vst v63  }
0xbe: {  	s9 =	sadd.s32 @!p3 $0xC, s20;
	s16 =	simm.s32 @!p3 $0xC000  }
0xbf: {  	[tilespmem:s16], [sflag:$0x1] =	stream.linear.gather @!p3 [hbm4b:s9+s28], $0x60, $0x38;
	[tilespmem:$0x12880] =	vst v63  }
0xc0: {  	_ =	swait.ge [sflag:s7], $0x3000  }
0xc1: {  	[sflag:s7] =	ssyncset.done $0x0  }
0xc2: {  	[sflag:s7] =	ssyncadd.s32 $0xFFFFD000  }
0xc3: {  	_ =	swait.ge [sflag:s7], $0x3000  }
0xc4: {  	[sflag:s7] =	ssyncset.done $0x0  }
0xc5: {  	[sflag:s7] =	ssyncadd.s32 $0xFFFFD000  }
0xc6: {  	_ =	swait.ge [sflag:s7], $0x60  }
0xc7: {  	[sflag:s7] =	ssyncset.done $0x0  }
0xc8: {  	[sflag:s7] =	ssyncadd.s32 $0xFFFFFFA0  }
0xc9: {  	[spmem:s2] =	stream.indirect.scatter.add.f32 [tilespmem:s30], [sflag:$0x3], $0x80, s1, s0, $0xb8;
	[tilespmem:$0x12880] =	vst v63  }
0xca: {  	_ =	swait.ge [sflag:s29], $0x3000  }
0xcb: {  	[sflag:s29] =	ssyncset.done $0x0  }
0xcc: {  	[sflag:s29] =	ssyncadd.s32 $0xFFFFD000  }
0xcd: {  	[spmem:s3] =	stream.indirect.scatter.add.f32 [tilespmem:s31], [sflag:$0x3], $0x80, s1, s0, $0xb8;
	[tilespmem:$0x12880] =	vst v63  }
0xce: {  	_ =	swait.ge [sflag:s29], $0x3000  }
0xcf: {  	[sflag:s29] =	ssyncset.done $0x0  }
0xd0: {  	[sflag:s29] =	ssyncadd.s32 $0xFFFFD000  }
0xd1: {  	v2 =	vld [tilespmem:$0xC080];
	_ =	sdelay $0x7  }
0xd2: {  	[tilespmem:v2+s26+$0x0] =	vst.idx.add.f32.msk $0xffff, v1  }
0xd3: {  	v2 =	vld [tilespmem:$0xC090];
	_ =	sdelay $0x7  }
0xd4: {  	[tilespmem:v2+s26+$0x0] =	vst.idx.add.f32.msk $0xffff, v1  }
0xd5: {  	v2 =	vld [tilespmem:$0xC0A0];
	_ =	sdelay $0x7  }
0xd6: {  	[tilespmem:v2+s26+$0x0] =	vst.idx.add.f32.msk $0xffff, v1  }
0xd7: {  	v2 =	vld [tilespmem:$0xC0B0];
	_ =	sdelay $0x7  }
0xd8: {  	[tilespmem:v2+s26+$0x0] =	vst.idx.add.f32.msk $0xffff, v1  }
0xd9: {  	v2 =	vld [tilespmem:$0xC0C0];
	_ =	sdelay $0x7  }
0xda: {  	[tilespmem:v2+s26+$0x0] =	vst.idx.add.f32.msk $0xffff, v1  }
0xdb: {  	v2 =	vld [tilespmem:$0xC0D0];
	_ =	sdelay $0x1  }
0xdc: {  	s15 =	sadd.s32 $0x1, s15  }
0xdd: {  	p3 =	slt.s32 s15, s14  }
.Ltmp7:
0xde: {  	_ = 	snop;
	(pc) =	sbr.rel @p3 .LBB2_8-.Ltmp7, $2  }
0xdf: {  	_ =	sdelay $0x2  }
0xe0: {  	s21 =	sadd.s32 $0x2, s21;
	s19 =	sadd.s32 $0x1800, s19;
	s20 =	sadd.s32 $0x18, s20;
	[tilespmem:v2+s26+$0x0] =	vst.idx.add.f32.msk $0xffff, v1  }
.Ltmp8:
0xe1: {  	_ = 	snop;
	(pc) =	sbr.rel .LBB2_9-.Ltmp8, $1  }
0xe2: {  	_ =	sdelay $0x3  }
.LBB2_10:
0xe3: {  	_ =	sfence.sel $0x180000  }
0xe4: {  	[bflag:$0x0] =	sbarrier.arrive $0xFFFF  }
0xe5: {  	_ =	strace $0x90000047  }
0xe6: {  	s0 =	stileid.u32;
	[bflag:$0x2] =	sbarrier.arrive $0xFFFF  }
0xe7: {  	p0 =	sne.s32 s0, $0x0;
	s0 =	rddreg [dreg:$0x6]  }
0xe8: {  	s0 =	sadd.s32 @!p0 $0x100000, s0  }
0xe9: {  	[sflag:s0] =	ssyncadd.tile.s32 @!p0 $0x1;
	_ =	shalt  }
.Lfunc_end2:
_tile_overlayer_lowered:
.L_overlay_start_2:
0xea: {  	(tag) =	ssettag $0x2  }
0xeb: {  	s0 =	rddreg [dreg:$0x0];
	s2 =	stileid.u32  }
0xec: {  	s1 =	rddreg [dreg:$0x1];
	p0 =	sne.s32 s2, $0x0  }
0xed: {  	s3 =	rddreg [dreg:$0x2];
	[bflag:$0x3] =	sbarrier.arrive $0xFFFF;
	s2 =	simm.s32 @!p0 $0x1C03  }
0xee: {  	[timem:s3], [sflag:s2] =	dma.local @!p0 [hbm:s0], s1  }
0xef: {  	s0 =	simm.s32 @!p0 $0x3  }
0xf0: {  	_ =	swait.ge @!p0 [sflag:s0], s1  }
0xf1: {  	s1 =	ssub.s32 @!p0 $0x0, s1;
	[sflag:s0] =	ssyncset.done @!p0 $0x0  }
0xf2: {  	[sflag:s0] =	ssyncadd.s32 @!p0 s1  }
0xf3: {  	[bflag:$0x3] =	sbarrier.arrive $0xFFFF  }
0xf4: {  	_ =	shalt  }

</sc_bundles>
